<compile_context>
chip_gen: v7x
topology: tpu7x:2x2x1
jax: 0.10.2.dev20260603
libtpu: 0.0.44.dev20260713+nightly
codegen_flags: <defaults>
</compile_context>

<pallas_src>
import functools

import jax
import jax.numpy as jnp
from jax import lax
from jax.experimental import pallas as pl
from jax.experimental.pallas import tpu as pltpu
from jax.experimental.pallas import tpu_sc as plsc

_CHUNK = 128
_K = 5
_N_WORKERS = 32


@functools.partial(jax.jit, static_argnums=(2,))
def _sc_gather(table, tok2d, iters):
    n_rows, _ = tok2d.shape
    t_total = n_rows * _CHUNK
    d = table.shape[1]
    per_w_rows = n_rows // _N_WORKERS
    step = _K * _CHUNK

    mesh = plsc.VectorSubcoreMesh(core_axis_name="c", subcore_axis_name="s")

    @functools.partial(
        pl.kernel,
        mesh=mesh,
        out_type=jax.ShapeDtypeStruct((t_total, d), jnp.float32),
        scratch_types=[
            pltpu.VMEM((2, _K, _CHUNK), jnp.int32),
            pltpu.VMEM((2, step, d), jnp.float32),
            pltpu.SemaphoreType.DMA,
            pltpu.SemaphoreType.DMA,
            pltpu.SemaphoreType.DMA,
            pltpu.SemaphoreType.DMA,
            pltpu.SemaphoreType.DMA,
            pltpu.SemaphoreType.DMA,
        ],
        compiler_params=pltpu.CompilerParams(use_tc_tiling_on_sc=False),
    )
    def k(table_hbm, tok_hbm, out_hbm, idx_v, rows_v, g0, g1, s0, s1, i0, i1):
        gsem = (g0, g1)
        ssem = (s0, s1)
        isem = (i0, i1)
        n_cores = lax.axis_size("c")
        wid = lax.axis_index("s") * n_cores + lax.axis_index("c")
        row_base = wid * per_w_rows

        def wait_rows(sem):
            pltpu.make_async_copy(
                out_hbm.at[pl.ds(0, step)], rows_v.at[0], sem
            ).wait()

        def wait_idx(sem):
            pltpu.make_async_copy(
                tok_hbm.at[pl.ds(0, _K)], idx_v.at[0], sem
            ).wait()

        def start_idx(gidx, b):
            pltpu.make_async_copy(
                tok_hbm.at[pl.ds(row_base + gidx * _K, _K)],
                idx_v.at[b],
                isem[b],
            ).start()

        def fire_gathers(b):
            for j in range(_K):
                pltpu.make_async_copy(
                    table_hbm.at[idx_v.at[b, j]],
                    rows_v.at[b, pl.ds(j * _CHUNK, _CHUNK)],
                    gsem[b],
                ).start()

        def start_store(gidx, b):
            pltpu.make_async_copy(
                rows_v.at[b],
                out_hbm.at[pl.ds((row_base + gidx * _K) * _CHUNK, step)],
                ssem[b],
            ).start()

        start_idx(0, 0)

        def pair_body(p, carry):
            for b in (0, 1):
                g = 2 * p + b
                ob = 1 - b
                if b == 1:
                    wait_rows(gsem[ob])
                    start_store(g - 1, ob)
                else:

                    @pl.when(p >= 1)
                    def _():
                        wait_rows(gsem[ob])
                        start_store(g - 1, ob)

                @pl.when(p >= 1)
                def _():
                    wait_rows(ssem[b])

                wait_idx(isem[b])
                fire_gathers(b)
                start_idx(jnp.minimum(g + 1, iters - 1), ob)
            return carry

        lax.fori_loop(0, iters // 2, pair_body, 0)

        wait_rows(gsem[1])
        start_store(iters - 1, 1)
        wait_idx(isem[0])
        wait_rows(ssem[0])
        wait_rows(ssem[1])

    return k(table, tok2d)


def _mm_body(g_ref, w_ref, b_ref, o_ref):
    seq = g_ref.shape[0]
    acc = None
    for l in range(seq):
        p = jnp.dot(g_ref[l], w_ref[l], preferred_element_type=jnp.float32)
        acc = p if acc is None else acc + p
    o_ref[...] = jnp.maximum(acc + b_ref[...], 0.0)


@jax.jit
def _tc_matmul(g3, w2, fc_b2d):
    seq, n_pair = g3.shape[0], g3.shape[1]
    mb = 128
    return pl.pallas_call(
        _mm_body,
        grid=(n_pair // mb,),
        in_specs=[
            pl.BlockSpec((seq, mb, 128), lambda i: (0, i, 0)),
            pl.BlockSpec((seq, 128, 128), lambda i: (0, 0, 0)),
            pl.BlockSpec((1, 128), lambda i: (0, 0)),
        ],
        out_specs=pl.BlockSpec((mb, 128), lambda i: (i, 0)),
        out_shape=jax.ShapeDtypeStruct((n_pair, 128), jnp.float32),
    )(g3, w2, fc_b2d)


def kernel(tokens, embed_table, fc_w, fc_b):
    batch, seq = tokens.shape
    d = embed_table.shape[1]
    t_total = batch * seq
    iters = t_total // (_N_WORKERS * _K * _CHUNK)

    tok2d = tokens.astype(jnp.int32).T.reshape(t_total // _CHUNK, _CHUNK)

    gathered = _sc_gather(embed_table, tok2d, iters)
    g3 = gathered.reshape(seq, batch // 2, 2 * d)

    wlt = fc_w.reshape(d, seq, d).transpose(1, 2, 0)
    w2 = jnp.zeros((seq, 2 * d, 2 * d), jnp.float32)
    w2 = w2.at[:, :d, :d].set(wlt).at[:, d:, d:].set(wlt)
    b2 = jnp.concatenate([fc_b, fc_b]).reshape(1, 2 * d)

    out_pairs = _tc_matmul(g3, w2, b2)
    return out_pairs.reshape(batch, d)

# --- scband reference (transcript-rebuilt; emitter-appended) ---
"""Pipeline reference for scband-text-embedding-7576322311030 (READ-ONLY COPY).

The authoritative reference and input builder live on the scoring server;
editing this copy changes nothing except your own understanding.
"""

import jax, jax.numpy as jnp
import numpy as np

VOCAB = 1000000
EMBED_DIM = 64
BATCH = 4096
MAX_LEN = 200


def setup_inputs(seed: int = 0) -> dict:
    key = jax.random.key(seed)
    k_tok, k_emb, k_w, k_b = jax.random.split(key, 4)
    tokens = jax.random.randint(k_tok, (BATCH, MAX_LEN), 0, VOCAB, dtype=jnp.int64 if jax.config.jax_enable_x64 else jnp.int32)
    embed_table = jax.random.normal(k_emb, (VOCAB, EMBED_DIM), dtype=jnp.float32)
    # nn.Linear(embed_dim*max_len, embed_dim): weight [out, in], bias [out]
    fan_in = EMBED_DIM * MAX_LEN
    bound = 1.0 / np.sqrt(fan_in)
    fc_w = jax.random.uniform(k_w, (EMBED_DIM, fan_in), minval=-bound, maxval=bound, dtype=jnp.float32)
    fc_b = jax.random.uniform(k_b, (EMBED_DIM,), minval=-bound, maxval=bound, dtype=jnp.float32)
    return {"tokens": tokens, "embed_table": embed_table, "fc_w": fc_w, "fc_b": fc_b}


def reference(tokens, embed_table, fc_w, fc_b):
    # x = self.embed(tokens) -> gather rows
    x = jnp.take(embed_table, tokens, axis=0)  # [B, L, D]
    # x = x.view(B, -1)
    x = x.reshape(tokens.shape[0], -1)  # [B, L*D]
    # self.fc(x): x @ W.T + b
    out = x @ fc_w.T + fc_b
    # self.act = ReLU
    return jax.nn.relu(out)

if __name__ == "__main__":
    import jax
    _d = setup_inputs()
    print(jax.jit(kernel)(*tuple(_d.values())))

</pallas_src>

<mosaic_0001>
#map = affine_map<(d0, d1) -> (0, 0)>
module attributes {stable_mosaic.version = 14 : i64} {
  func.func @k(%arg0: i32, %arg1: i32, %arg2: memref<1000000x64xf32, #tpu.memory_space<hbm>>, %arg3: memref<6400x128xi32, #tpu.memory_space<hbm>>, %arg4: memref<819200x64xf32, #tpu.memory_space<hbm>>, %arg5: memref<2x5x128xi32, #tpu.memory_space<vmem>>, %arg6: memref<2x640x64xf32, #tpu.memory_space<vmem>>, %arg7: memref<!tpu.dma_semaphore, #tpu.memory_space<semaphore_mem>>, %arg8: memref<!tpu.dma_semaphore, #tpu.memory_space<semaphore_mem>>, %arg9: memref<!tpu.dma_semaphore, #tpu.memory_space<semaphore_mem>>, %arg10: memref<!tpu.dma_semaphore, #tpu.memory_space<semaphore_mem>>, %arg11: memref<!tpu.dma_semaphore, #tpu.memory_space<semaphore_mem>>, %arg12: memref<!tpu.dma_semaphore, #tpu.memory_space<semaphore_mem>>) attributes {dimension_semantics = [#tpu.dimension_semantics<core_parallel>, #tpu.dimension_semantics<subcore_parallel>], iteration_bounds = array<i64: 2, 16>, scalar_prefetch = 0 : i64, scratch_operands = 8 : i64, tpu.core_type = #tpu.core_type<sc_vector_subcore>, window_params = [{transform_indices = #map}, {transform_indices = #map}, {transform_indices = #map}]} {
    %mul3A = arith.constant 2 : i32
    %mul3A_0 = arith.muli %arg1, %mul3A : i32
    %add3A = arith.addi %mul3A_0, %arg0 : i32
    %mul3A_1 = arith.constant 200 : i32
    %mul3A_2 = arith.muli %add3A, %mul3A_1 : i32
    %add3A_3 = arith.constant 0 : i32
    %add3A_4 = arith.addi %mul3A_2, %add3A_3 : i32
    %dma_start3A = arith.constant 0 : i32
    %dma_start3A_5 = arith.constant 0 : i32
    %dma_start3A_6 = arith.constant 0 : i32
    %dma_start3A_7 = tpu.memref_slice %arg5[%dma_start3A, %dma_start3A_5, %dma_start3A_6] : memref<2x5x128xi32, #tpu.memory_space<vmem>> -> memref<1x5x128xi32, #tpu.memory_space<vmem>>
    %dma_start3A_8 = tpu.memref_squeeze %dma_start3A_7 : memref<1x5x128xi32, #tpu.memory_space<vmem>> -> memref<5x128xi32, #tpu.memory_space<vmem>>
    %dma_start3A_9 = arith.constant 0 : i32
    %dma_start3A_10 = tpu.memref_slice %arg3[%add3A_4, %dma_start3A_9] : memref<6400x128xi32, #tpu.memory_space<hbm>> -> memref<5x128xi32, #tpu.memory_space<hbm>>
    %dma_start3A_11 = arith.constant 0 : i32
    %dma_start3A_12 = arith.constant 0 : i32
    %dma_start3A_13 = tpu.memref_slice %arg5[%dma_start3A, %dma_start3A_11, %dma_start3A_12] : memref<2x5x128xi32, #tpu.memory_space<vmem>> -> memref<1x5x128xi32, #tpu.memory_space<vmem>>
    %dma_start3A_14 = tpu.memref_squeeze %dma_start3A_13 : memref<1x5x128xi32, #tpu.memory_space<vmem>> -> memref<5x128xi32, #tpu.memory_space<vmem>>
    %dma_start3A_15 = arith.constant 0 : i32
    %dma_start3A_16 = tpu.memref_slice %arg3[%add3A_4, %dma_start3A_15] : memref<6400x128xi32, #tpu.memory_space<hbm>> -> memref<5x128xi32, #tpu.memory_space<hbm>>
    tpu.enqueue_dma source(%dma_start3A_16 : memref<5x128xi32, #tpu.memory_space<hbm>>) target(%dma_start3A_14 : memref<5x128xi32, #tpu.memory_space<vmem>>) target_semaphore(%arg11 : memref<!tpu.dma_semaphore, #tpu.memory_space<semaphore_mem>>)
    %scan3A = arith.constant 0 : i32
    %scan3A_17 = arith.constant 0 : i32
    %scan3A_18 = arith.constant 20 : i32
    %scan3A_19 = arith.addi %scan3A_17, %scan3A_18 : i32
    %scan3A_20 = arith.constant 1 : i32
    scf.for %scan3A_98 = %scan3A_17 to %scan3A_19 step %scan3A_20  : i32 {
      %mul3A_99 = arith.constant 2 : i32
      %mul3A_100 = arith.muli %mul3A_99, %scan3A_98 : i32
      %add3A_101 = arith.constant 0 : i32
      %add3A_102 = arith.addi %mul3A_100, %add3A_101 : i32
      %ge3A = arith.constant 1 : i32
      %ge3A_103 = arith.cmpi sge, %scan3A_98, %ge3A : i32
      %convert_element_type3A = arith.extui %ge3A_103 : i1 to i32
      %cond3A = arith.constant 0 : i32
      %cond3A_104 = arith.cmpi ne, %convert_element_type3A, %cond3A : i32
      scf.if %cond3A_104 {
        %dma_wait3A_352 = arith.constant 0 : i32
        %dma_wait3A_353 = arith.constant 0 : i32
        %dma_wait3A_354 = arith.constant 0 : i32
        %dma_wait3A_355 = tpu.memref_slice %arg6[%dma_wait3A_352, %dma_wait3A_353, %dma_wait3A_354] : memref<2x640x64xf32, #tpu.memory_space<vmem>> -> memref<1x640x64xf32, #tpu.memory_space<vmem>>
        %dma_wait3A_356 = tpu.memref_squeeze %dma_wait3A_355 : memref<1x640x64xf32, #tpu.memory_space<vmem>> -> memref<640x64xf32, #tpu.memory_space<vmem>>
        %dma_wait3A_357 = arith.constant 0 : i32
        %dma_wait3A_358 = arith.constant 0 : i32
        %dma_wait3A_359 = tpu.memref_slice %arg4[%dma_wait3A_357, %dma_wait3A_358] : memref<819200x64xf32, #tpu.memory_space<hbm>> -> memref<640x64xf32, #tpu.memory_space<hbm>>
        %dma_wait3A_360 = arith.constant 0 : i32
        %dma_wait3A_361 = arith.constant 0 : i32
        %dma_wait3A_362 = tpu.memref_slice %arg6[%dma_wait3A_352, %dma_wait3A_360, %dma_wait3A_361] : memref<2x640x64xf32, #tpu.memory_space<vmem>> -> memref<1x640x64xf32, #tpu.memory_space<vmem>>
        %dma_wait3A_363 = tpu.memref_squeeze %dma_wait3A_362 : memref<1x640x64xf32, #tpu.memory_space<vmem>> -> memref<640x64xf32, #tpu.memory_space<vmem>>
        %dma_wait3A_364 = arith.constant 0 : i32
        %dma_wait3A_365 = arith.constant 0 : i32
        %dma_wait3A_366 = tpu.memref_slice %arg4[%dma_wait3A_364, %dma_wait3A_365] : memref<819200x64xf32, #tpu.memory_space<hbm>> -> memref<640x64xf32, #tpu.memory_space<hbm>>
        tpu.wait_dma2 semaphore(%arg8 : memref<!tpu.dma_semaphore, #tpu.memory_space<semaphore_mem>>) src(%dma_wait3A_366 : memref<640x64xf32, #tpu.memory_space<hbm>>) dst(%dma_wait3A_363 : memref<640x64xf32, #tpu.memory_space<vmem>>)
        %sub3A_367 = arith.constant 1 : i32
        %sub3A_368 = arith.subi %add3A_102, %sub3A_367 : i32
        %mul3A_369 = arith.constant 5 : i32
        %mul3A_370 = arith.muli %sub3A_368, %mul3A_369 : i32
        %add3A_371 = arith.addi %mul3A_2, %mul3A_370 : i32
        %mul3A_372 = arith.constant 128 : i32
        %mul3A_373 = arith.muli %add3A_371, %mul3A_372 : i32
        %dma_start3A_374 = arith.constant 1 : i32
        %dma_start3A_375 = arith.constant 0 : i32
        %dma_start3A_376 = arith.constant 0 : i32
        %dma_start3A_377 = tpu.memref_slice %arg6[%dma_start3A_374, %dma_start3A_375, %dma_start3A_376] : memref<2x640x64xf32, #tpu.memory_space<vmem>> -> memref<1x640x64xf32, #tpu.memory_space<vmem>>
        %dma_start3A_378 = tpu.memref_squeeze %dma_start3A_377 : memref<1x640x64xf32, #tpu.memory_space<vmem>> -> memref<640x64xf32, #tpu.memory_space<vmem>>
        %dma_start3A_379 = arith.constant 0 : i32
        %dma_start3A_380 = tpu.memref_slice %arg4[%mul3A_373, %dma_start3A_379] : memref<819200x64xf32, #tpu.memory_space<hbm>> -> memref<640x64xf32, #tpu.memory_space<hbm>>
        %dma_start3A_381 = arith.constant 0 : i32
        %dma_start3A_382 = tpu.memref_slice %arg4[%mul3A_373, %dma_start3A_381] : memref<819200x64xf32, #tpu.memory_space<hbm>> -> memref<640x64xf32, #tpu.memory_space<hbm>>
        %dma_start3A_383 = arith.constant 0 : i32
        %dma_start3A_384 = arith.constant 0 : i32
        %dma_start3A_385 = tpu.memref_slice %arg6[%dma_start3A_374, %dma_start3A_383, %dma_start3A_384] : memref<2x640x64xf32, #tpu.memory_space<vmem>> -> memref<1x640x64xf32, #tpu.memory_space<vmem>>
        %dma_start3A_386 = tpu.memref_squeeze %dma_start3A_385 : memref<1x640x64xf32, #tpu.memory_space<vmem>> -> memref<640x64xf32, #tpu.memory_space<vmem>>
        tpu.enqueue_dma source(%dma_start3A_386 : memref<640x64xf32, #tpu.memory_space<vmem>>) target(%dma_start3A_382 : memref<640x64xf32, #tpu.memory_space<hbm>>) target_semaphore(%arg10 : memref<!tpu.dma_semaphore, #tpu.memory_space<semaphore_mem>>)
      } else {
      }
      %ge3A_105 = arith.constant 1 : i32
      %ge3A_106 = arith.cmpi sge, %scan3A_98, %ge3A_105 : i32
      %convert_element_type3A_107 = arith.extui %ge3A_106 : i1 to i32
      %cond3A_108 = arith.constant 0 : i32
      %cond3A_109 = arith.cmpi ne, %convert_element_type3A_107, %cond3A_108 : i32
      scf.if %cond3A_109 {
        %dma_wait3A_352 = arith.constant 0 : i32
        %dma_wait3A_353 = arith.constant 0 : i32
        %dma_wait3A_354 = arith.constant 0 : i32
        %dma_wait3A_355 = tpu.memref_slice %arg6[%dma_wait3A_352, %dma_wait3A_353, %dma_wait3A_354] : memref<2x640x64xf32, #tpu.memory_space<vmem>> -> memref<1x640x64xf32, #tpu.memory_space<vmem>>
        %dma_wait3A_356 = tpu.memref_squeeze %dma_wait3A_355 : memref<1x640x64xf32, #tpu.memory_space<vmem>> -> memref<640x64xf32, #tpu.memory_space<vmem>>
        %dma_wait3A_357 = arith.constant 0 : i32
        %dma_wait3A_358 = arith.constant 0 : i32
        %dma_wait3A_359 = tpu.memref_slice %arg4[%dma_wait3A_357, %dma_wait3A_358] : memref<819200x64xf32, #tpu.memory_space<hbm>> -> memref<640x64xf32, #tpu.memory_space<hbm>>
        %dma_wait3A_360 = arith.constant 0 : i32
        %dma_wait3A_361 = arith.constant 0 : i32
        %dma_wait3A_362 = tpu.memref_slice %arg6[%dma_wait3A_352, %dma_wait3A_360, %dma_wait3A_361] : memref<2x640x64xf32, #tpu.memory_space<vmem>> -> memref<1x640x64xf32, #tpu.memory_space<vmem>>
        %dma_wait3A_363 = tpu.memref_squeeze %dma_wait3A_362 : memref<1x640x64xf32, #tpu.memory_space<vmem>> -> memref<640x64xf32, #tpu.memory_space<vmem>>
        %dma_wait3A_364 = arith.constant 0 : i32
        %dma_wait3A_365 = arith.constant 0 : i32
        %dma_wait3A_366 = tpu.memref_slice %arg4[%dma_wait3A_364, %dma_wait3A_365] : memref<819200x64xf32, #tpu.memory_space<hbm>> -> memref<640x64xf32, #tpu.memory_space<hbm>>
        tpu.wait_dma2 semaphore(%arg9 : memref<!tpu.dma_semaphore, #tpu.memory_space<semaphore_mem>>) src(%dma_wait3A_366 : memref<640x64xf32, #tpu.memory_space<hbm>>) dst(%dma_wait3A_363 : memref<640x64xf32, #tpu.memory_space<vmem>>)
      } else {
      }
      %dma_wait3A_110 = arith.constant 0 : i32
      %dma_wait3A_111 = arith.constant 0 : i32
      %dma_wait3A_112 = arith.constant 0 : i32
      %dma_wait3A_113 = tpu.memref_slice %arg5[%dma_wait3A_110, %dma_wait3A_111, %dma_wait3A_112] : memref<2x5x128xi32, #tpu.memory_space<vmem>> -> memref<1x5x128xi32, #tpu.memory_space<vmem>>
      %dma_wait3A_114 = tpu.memref_squeeze %dma_wait3A_113 : memref<1x5x128xi32, #tpu.memory_space<vmem>> -> memref<5x128xi32, #tpu.memory_space<vmem>>
      %dma_wait3A_115 = arith.constant 0 : i32
      %dma_wait3A_116 = arith.constant 0 : i32
      %dma_wait3A_117 = tpu.memref_slice %arg3[%dma_wait3A_115, %dma_wait3A_116] : memref<6400x128xi32, #tpu.memory_space<hbm>> -> memref<5x128xi32, #tpu.memory_space<hbm>>
      %dma_wait3A_118 = arith.constant 0 : i32
      %dma_wait3A_119 = arith.constant 0 : i32
      %dma_wait3A_120 = tpu.memref_slice %arg5[%dma_wait3A_110, %dma_wait3A_118, %dma_wait3A_119] : memref<2x5x128xi32, #tpu.memory_space<vmem>> -> memref<1x5x128xi32, #tpu.memory_space<vmem>>
      %dma_wait3A_121 = tpu.memref_squeeze %dma_wait3A_120 : memref<1x5x128xi32, #tpu.memory_space<vmem>> -> memref<5x128xi32, #tpu.memory_space<vmem>>
      %dma_wait3A_122 = arith.constant 0 : i32
      %dma_wait3A_123 = arith.constant 0 : i32
      %dma_wait3A_124 = tpu.memref_slice %arg3[%dma_wait3A_122, %dma_wait3A_123] : memref<6400x128xi32, #tpu.memory_space<hbm>> -> memref<5x128xi32, #tpu.memory_space<hbm>>
      tpu.wait_dma2 semaphore(%arg11 : memref<!tpu.dma_semaphore, #tpu.memory_space<semaphore_mem>>) src(%dma_wait3A_124 : memref<5x128xi32, #tpu.memory_space<hbm>>) dst(%dma_wait3A_121 : memref<5x128xi32, #tpu.memory_space<vmem>>)
      %dma_start3A_125 = arith.constant 0 : i32
      %dma_start3A_126 = arith.constant 0 : i32
      %dma_start3A_127 = arith.constant 0 : i32
      %dma_start3A_128 = arith.constant 0 : i32
      %dma_start3A_129 = arith.constant 0 : i32
      %dma_start3A_130 = tpu.memref_slice %arg6[%dma_start3A_127, %dma_start3A_128, %dma_start3A_129] : memref<2x640x64xf32, #tpu.memory_space<vmem>> -> memref<1x128x64xf32, #tpu.memory_space<vmem>>
      %dma_start3A_131 = tpu.memref_squeeze %dma_start3A_130 : memref<1x128x64xf32, #tpu.memory_space<vmem>> -> memref<128x64xf32, #tpu.memory_space<vmem>>
      %dma_start3A_132 = arith.constant 0 : i32
      %dma_start3A_133 = tpu.memref_slice %arg5[%dma_start3A_125, %dma_start3A_126, %dma_start3A_132] : memref<2x5x128xi32, #tpu.memory_space<vmem>> -> memref<1x1x128xi32, #tpu.memory_space<vmem>>
      %dma_start3A_134 = tpu.memref_squeeze %dma_start3A_133 : memref<1x1x128xi32, #tpu.memory_space<vmem>> -> memref<128xi32, #tpu.memory_space<vmem>>
      %dma_start3A_135 = arith.constant 0 : i32
      %dma_start3A_136 = arith.constant 0 : i32
      %dma_start3A_137 = tpu.memref_slice %arg2[%dma_start3A_135, %dma_start3A_136] : memref<1000000x64xf32, #tpu.memory_space<hbm>> -> memref<1000000x64xf32, #tpu.memory_space<hbm>>
      tpu.enqueue_indirect_dma source(%dma_start3A_137 : memref<1000000x64xf32, #tpu.memory_space<hbm>>) target(%dma_start3A_131 : memref<128x64xf32, #tpu.memory_space<vmem>>) offsets(%dma_start3A_134 : memref<128xi32, #tpu.memory_space<vmem>>) semaphore(%arg7 : memref<!tpu.dma_semaphore, #tpu.memory_space<semaphore_mem>>)
      %dma_start3A_138 = arith.constant 0 : i32
      %dma_start3A_139 = arith.constant 1 : i32
      %dma_start3A_140 = arith.constant 0 : i32
      %dma_start3A_141 = arith.constant 128 : i32
      %dma_start3A_142 = arith.constant 0 : i32
      %dma_start3A_143 = tpu.memref_slice %arg6[%dma_start3A_140, %dma_start3A_141, %dma_start3A_142] : memref<2x640x64xf32, #tpu.memory_space<vmem>> -> memref<1x128x64xf32, #tpu.memory_space<vmem>>
      %dma_start3A_144 = tpu.memref_squeeze %dma_start3A_143 : memref<1x128x64xf32, #tpu.memory_space<vmem>> -> memref<128x64xf32, #tpu.memory_space<vmem>>
      %dma_start3A_145 = arith.constant 0 : i32
      %dma_start3A_146 = tpu.memref_slice %arg5[%dma_start3A_138, %dma_start3A_139, %dma_start3A_145] : memref<2x5x128xi32, #tpu.memory_space<vmem>> -> memref<1x1x128xi32, #tpu.memory_space<vmem>>
      %dma_start3A_147 = tpu.memref_squeeze %dma_start3A_146 : memref<1x1x128xi32, #tpu.memory_space<vmem>> -> memref<128xi32, #tpu.memory_space<vmem>>
      %dma_start3A_148 = arith.constant 0 : i32
      %dma_start3A_149 = arith.constant 0 : i32
      %dma_start3A_150 = tpu.memref_slice %arg2[%dma_start3A_148, %dma_start3A_149] : memref<1000000x64xf32, #tpu.memory_space<hbm>> -> memref<1000000x64xf32, #tpu.memory_space<hbm>>
      tpu.enqueue_indirect_dma source(%dma_start3A_150 : memref<1000000x64xf32, #tpu.memory_space<hbm>>) target(%dma_start3A_144 : memref<128x64xf32, #tpu.memory_space<vmem>>) offsets(%dma_start3A_147 : memref<128xi32, #tpu.memory_space<vmem>>) semaphore(%arg7 : memref<!tpu.dma_semaphore, #tpu.memory_space<semaphore_mem>>)
      %dma_start3A_151 = arith.constant 0 : i32
      %dma_start3A_152 = arith.constant 2 : i32
      %dma_start3A_153 = arith.constant 0 : i32
      %dma_start3A_154 = arith.constant 256 : i32
      %dma_start3A_155 = arith.constant 0 : i32
      %dma_start3A_156 = tpu.memref_slice %arg6[%dma_start3A_153, %dma_start3A_154, %dma_start3A_155] : memref<2x640x64xf32, #tpu.memory_space<vmem>> -> memref<1x128x64xf32, #tpu.memory_space<vmem>>
      %dma_start3A_157 = tpu.memref_squeeze %dma_start3A_156 : memref<1x128x64xf32, #tpu.memory_space<vmem>> -> memref<128x64xf32, #tpu.memory_space<vmem>>
      %dma_start3A_158 = arith.constant 0 : i32
      %dma_start3A_159 = tpu.memref_slice %arg5[%dma_start3A_151, %dma_start3A_152, %dma_start3A_158] : memref<2x5x128xi32, #tpu.memory_space<vmem>> -> memref<1x1x128xi32, #tpu.memory_space<vmem>>
      %dma_start3A_160 = tpu.memref_squeeze %dma_start3A_159 : memref<1x1x128xi32, #tpu.memory_space<vmem>> -> memref<128xi32, #tpu.memory_space<vmem>>
      %dma_start3A_161 = arith.constant 0 : i32
      %dma_start3A_162 = arith.constant 0 : i32
      %dma_start3A_163 = tpu.memref_slice %arg2[%dma_start3A_161, %dma_start3A_162] : memref<1000000x64xf32, #tpu.memory_space<hbm>> -> memref<1000000x64xf32, #tpu.memory_space<hbm>>
      tpu.enqueue_indirect_dma source(%dma_start3A_163 : memref<1000000x64xf32, #tpu.memory_space<hbm>>) target(%dma_start3A_157 : memref<128x64xf32, #tpu.memory_space<vmem>>) offsets(%dma_start3A_160 : memref<128xi32, #tpu.memory_space<vmem>>) semaphore(%arg7 : memref<!tpu.dma_semaphore, #tpu.memory_space<semaphore_mem>>)
      %dma_start3A_164 = arith.constant 0 : i32
      %dma_start3A_165 = arith.constant 3 : i32
      %dma_start3A_166 = arith.constant 0 : i32
      %dma_start3A_167 = arith.constant 384 : i32
      %dma_start3A_168 = arith.constant 0 : i32
      %dma_start3A_169 = tpu.memref_slice %arg6[%dma_start3A_166, %dma_start3A_167, %dma_start3A_168] : memref<2x640x64xf32, #tpu.memory_space<vmem>> -> memref<1x128x64xf32, #tpu.memory_space<vmem>>
      %dma_start3A_170 = tpu.memref_squeeze %dma_start3A_169 : memref<1x128x64xf32, #tpu.memory_space<vmem>> -> memref<128x64xf32, #tpu.memory_space<vmem>>
      %dma_start3A_171 = arith.constant 0 : i32
      %dma_start3A_172 = tpu.memref_slice %arg5[%dma_start3A_164, %dma_start3A_165, %dma_start3A_171] : memref<2x5x128xi32, #tpu.memory_space<vmem>> -> memref<1x1x128xi32, #tpu.memory_space<vmem>>
      %dma_start3A_173 = tpu.memref_squeeze %dma_start3A_172 : memref<1x1x128xi32, #tpu.memory_space<vmem>> -> memref<128xi32, #tpu.memory_space<vmem>>
      %dma_start3A_174 = arith.constant 0 : i32
      %dma_start3A_175 = arith.constant 0 : i32
      %dma_start3A_176 = tpu.memref_slice %arg2[%dma_start3A_174, %dma_start3A_175] : memref<1000000x64xf32, #tpu.memory_space<hbm>> -> memref<1000000x64xf32, #tpu.memory_space<hbm>>
      tpu.enqueue_indirect_dma source(%dma_start3A_176 : memref<1000000x64xf32, #tpu.memory_space<hbm>>) target(%dma_start3A_170 : memref<128x64xf32, #tpu.memory_space<vmem>>) offsets(%dma_start3A_173 : memref<128xi32, #tpu.memory_space<vmem>>) semaphore(%arg7 : memref<!tpu.dma_semaphore, #tpu.memory_space<semaphore_mem>>)
      %dma_start3A_177 = arith.constant 0 : i32
      %dma_start3A_178 = arith.constant 4 : i32
      %dma_start3A_179 = arith.constant 0 : i32
      %dma_start3A_180 = arith.constant 512 : i32
      %dma_start3A_181 = arith.constant 0 : i32
      %dma_start3A_182 = tpu.memref_slice %arg6[%dma_start3A_179, %dma_start3A_180, %dma_start3A_181] : memref<2x640x64xf32, #tpu.memory_space<vmem>> -> memref<1x128x64xf32, #tpu.memory_space<vmem>>
      %dma_start3A_183 = tpu.memref_squeeze %dma_start3A_182 : memref<1x128x64xf32, #tpu.memory_space<vmem>> -> memref<128x64xf32, #tpu.memory_space<vmem>>
      %dma_start3A_184 = arith.constant 0 : i32
      %dma_start3A_185 = tpu.memref_slice %arg5[%dma_start3A_177, %dma_start3A_178, %dma_start3A_184] : memref<2x5x128xi32, #tpu.memory_space<vmem>> -> memref<1x1x128xi32, #tpu.memory_space<vmem>>
      %dma_start3A_186 = tpu.memref_squeeze %dma_start3A_185 : memref<1x1x128xi32, #tpu.memory_space<vmem>> -> memref<128xi32, #tpu.memory_space<vmem>>
      %dma_start3A_187 = arith.constant 0 : i32
      %dma_start3A_188 = arith.constant 0 : i32
      %dma_start3A_189 = tpu.memref_slice %arg2[%dma_start3A_187, %dma_start3A_188] : memref<1000000x64xf32, #tpu.memory_space<hbm>> -> memref<1000000x64xf32, #tpu.memory_space<hbm>>
      tpu.enqueue_indirect_dma source(%dma_start3A_189 : memref<1000000x64xf32, #tpu.memory_space<hbm>>) target(%dma_start3A_183 : memref<128x64xf32, #tpu.memory_space<vmem>>) offsets(%dma_start3A_186 : memref<128xi32, #tpu.memory_space<vmem>>) semaphore(%arg7 : memref<!tpu.dma_semaphore, #tpu.memory_space<semaphore_mem>>)
      %add3A_190 = arith.constant 1 : i32
      %add3A_191 = arith.addi %add3A_102, %add3A_190 : i32
      %min3A = arith.constant 39 : i32
      %min3A_192 = arith.minsi %add3A_191, %min3A : i32
      %mul3A_193 = arith.constant 5 : i32
      %mul3A_194 = arith.muli %min3A_192, %mul3A_193 : i32
      %add3A_195 = arith.addi %mul3A_2, %mul3A_194 : i32
      %dma_start3A_196 = arith.constant 1 : i32
      %dma_start3A_197 = arith.constant 0 : i32
      %dma_start3A_198 = arith.constant 0 : i32
      %dma_start3A_199 = tpu.memref_slice %arg5[%dma_start3A_196, %dma_start3A_197, %dma_start3A_198] : memref<2x5x128xi32, #tpu.memory_space<vmem>> -> memref<1x5x128xi32, #tpu.memory_space<vmem>>
      %dma_start3A_200 = tpu.memref_squeeze %dma_start3A_199 : memref<1x5x128xi32, #tpu.memory_space<vmem>> -> memref<5x128xi32, #tpu.memory_space<vmem>>
      %dma_start3A_201 = arith.constant 0 : i32
      %dma_start3A_202 = tpu.memref_slice %arg3[%add3A_195, %dma_start3A_201] : memref<6400x128xi32, #tpu.memory_space<hbm>> -> memref<5x128xi32, #tpu.memory_space<hbm>>
      %dma_start3A_203 = arith.constant 0 : i32
      %dma_start3A_204 = arith.constant 0 : i32
      %dma_start3A_205 = tpu.memref_slice %arg5[%dma_start3A_196, %dma_start3A_203, %dma_start3A_204] : memref<2x5x128xi32, #tpu.memory_space<vmem>> -> memref<1x5x128xi32, #tpu.memory_space<vmem>>
      %dma_start3A_206 = tpu.memref_squeeze %dma_start3A_205 : memref<1x5x128xi32, #tpu.memory_space<vmem>> -> memref<5x128xi32, #tpu.memory_space<vmem>>
      %dma_start3A_207 = arith.constant 0 : i32
      %dma_start3A_208 = tpu.memref_slice %arg3[%add3A_195, %dma_start3A_207] : memref<6400x128xi32, #tpu.memory_space<hbm>> -> memref<5x128xi32, #tpu.memory_space<hbm>>
      tpu.enqueue_dma source(%dma_start3A_208 : memref<5x128xi32, #tpu.memory_space<hbm>>) target(%dma_start3A_206 : memref<5x128xi32, #tpu.memory_space<vmem>>) target_semaphore(%arg12 : memref<!tpu.dma_semaphore, #tpu.memory_space<semaphore_mem>>)
      %mul3A_209 = arith.constant 2 : i32
      %mul3A_210 = arith.muli %mul3A_209, %scan3A_98 : i32
      %add3A_211 = arith.constant 1 : i32
      %add3A_212 = arith.addi %mul3A_210, %add3A_211 : i32
      %dma_wait3A_213 = arith.constant 0 : i32
      %dma_wait3A_214 = arith.constant 0 : i32
      %dma_wait3A_215 = arith.constant 0 : i32
      %dma_wait3A_216 = tpu.memref_slice %arg6[%dma_wait3A_213, %dma_wait3A_214, %dma_wait3A_215] : memref<2x640x64xf32, #tpu.memory_space<vmem>> -> memref<1x640x64xf32, #tpu.memory_space<vmem>>
      %dma_wait3A_217 = tpu.memref_squeeze %dma_wait3A_216 : memref<1x640x64xf32, #tpu.memory_space<vmem>> -> memref<640x64xf32, #tpu.memory_space<vmem>>
      %dma_wait3A_218 = arith.constant 0 : i32
      %dma_wait3A_219 = arith.constant 0 : i32
      %dma_wait3A_220 = tpu.memref_slice %arg4[%dma_wait3A_218, %dma_wait3A_219] : memref<819200x64xf32, #tpu.memory_space<hbm>> -> memref<640x64xf32, #tpu.memory_space<hbm>>
      %dma_wait3A_221 = arith.constant 0 : i32
      %dma_wait3A_222 = arith.constant 0 : i32
      %dma_wait3A_223 = tpu.memref_slice %arg6[%dma_wait3A_213, %dma_wait3A_221, %dma_wait3A_222] : memref<2x640x64xf32, #tpu.memory_space<vmem>> -> memref<1x640x64xf32, #tpu.memory_space<vmem>>
      %dma_wait3A_224 = tpu.memref_squeeze %dma_wait3A_223 : memref<1x640x64xf32, #tpu.memory_space<vmem>> -> memref<640x64xf32, #tpu.memory_space<vmem>>
      %dma_wait3A_225 = arith.constant 0 : i32
      %dma_wait3A_226 = arith.constant 0 : i32
      %dma_wait3A_227 = tpu.memref_slice %arg4[%dma_wait3A_225, %dma_wait3A_226] : memref<819200x64xf32, #tpu.memory_space<hbm>> -> memref<640x64xf32, #tpu.memory_space<hbm>>
      tpu.wait_dma2 semaphore(%arg7 : memref<!tpu.dma_semaphore, #tpu.memory_space<semaphore_mem>>) src(%dma_wait3A_227 : memref<640x64xf32, #tpu.memory_space<hbm>>) dst(%dma_wait3A_224 : memref<640x64xf32, #tpu.memory_space<vmem>>)
      %sub3A = arith.constant 1 : i32
      %sub3A_228 = arith.subi %add3A_212, %sub3A : i32
      %mul3A_229 = arith.constant 5 : i32
      %mul3A_230 = arith.muli %sub3A_228, %mul3A_229 : i32
      %add3A_231 = arith.addi %mul3A_2, %mul3A_230 : i32
      %mul3A_232 = arith.constant 128 : i32
      %mul3A_233 = arith.muli %add3A_231, %mul3A_232 : i32
      %dma_start3A_234 = arith.constant 0 : i32
      %dma_start3A_235 = arith.constant 0 : i32
      %dma_start3A_236 = arith.constant 0 : i32
      %dma_start3A_237 = tpu.memref_slice %arg6[%dma_start3A_234, %dma_start3A_235, %dma_start3A_236] : memref<2x640x64xf32, #tpu.memory_space<vmem>> -> memref<1x640x64xf32, #tpu.memory_space<vmem>>
      %dma_start3A_238 = tpu.memref_squeeze %dma_start3A_237 : memref<1x640x64xf32, #tpu.memory_space<vmem>> -> memref<640x64xf32, #tpu.memory_space<vmem>>
      %dma_start3A_239 = arith.constant 0 : i32
      %dma_start3A_240 = tpu.memref_slice %arg4[%mul3A_233, %dma_start3A_239] : memref<819200x64xf32, #tpu.memory_space<hbm>> -> memref<640x64xf32, #tpu.memory_space<hbm>>
      %dma_start3A_241 = arith.constant 0 : i32
      %dma_start3A_242 = tpu.memref_slice %arg4[%mul3A_233, %dma_start3A_241] : memref<819200x64xf32, #tpu.memory_space<hbm>> -> memref<640x64xf32, #tpu.memory_space<hbm>>
      %dma_start3A_243 = arith.constant 0 : i32
      %dma_start3A_244 = arith.constant 0 : i32
      %dma_start3A_245 = tpu.memref_slice %arg6[%dma_start3A_234, %dma_start3A_243, %dma_start3A_244] : memref<2x640x64xf32, #tpu.memory_space<vmem>> -> memref<1x640x64xf32, #tpu.memory_space<vmem>>
      %dma_start3A_246 = tpu.memref_squeeze %dma_start3A_245 : memref<1x640x64xf32, #tpu.memory_space<vmem>> -> memref<640x64xf32, #tpu.memory_space<vmem>>
      tpu.enqueue_dma source(%dma_start3A_246 : memref<640x64xf32, #tpu.memory_space<vmem>>) target(%dma_start3A_242 : memref<640x64xf32, #tpu.memory_space<hbm>>) target_semaphore(%arg9 : memref<!tpu.dma_semaphore, #tpu.memory_space<semaphore_mem>>)
      %ge3A_247 = arith.constant 1 : i32
      %ge3A_248 = arith.cmpi sge, %scan3A_98, %ge3A_247 : i32
      %convert_element_type3A_249 = arith.extui %ge3A_248 : i1 to i32
      %cond3A_250 = arith.constant 0 : i32
      %cond3A_251 = arith.cmpi ne, %convert_element_type3A_249, %cond3A_250 : i32
      scf.if %cond3A_251 {
        %dma_wait3A_352 = arith.constant 0 : i32
        %dma_wait3A_353 = arith.constant 0 : i32
        %dma_wait3A_354 = arith.constant 0 : i32
        %dma_wait3A_355 = tpu.memref_slice %arg6[%dma_wait3A_352, %dma_wait3A_353, %dma_wait3A_354] : memref<2x640x64xf32, #tpu.memory_space<vmem>> -> memref<1x640x64xf32, #tpu.memory_space<vmem>>
        %dma_wait3A_356 = tpu.memref_squeeze %dma_wait3A_355 : memref<1x640x64xf32, #tpu.memory_space<vmem>> -> memref<640x64xf32, #tpu.memory_space<vmem>>
        %dma_wait3A_357 = arith.constant 0 : i32
        %dma_wait3A_358 = arith.constant 0 : i32
        %dma_wait3A_359 = tpu.memref_slice %arg4[%dma_wait3A_357, %dma_wait3A_358] : memref<819200x64xf32, #tpu.memory_space<hbm>> -> memref<640x64xf32, #tpu.memory_space<hbm>>
        %dma_wait3A_360 = arith.constant 0 : i32
        %dma_wait3A_361 = arith.constant 0 : i32
        %dma_wait3A_362 = tpu.memref_slice %arg6[%dma_wait3A_352, %dma_wait3A_360, %dma_wait3A_361] : memref<2x640x64xf32, #tpu.memory_space<vmem>> -> memref<1x640x64xf32, #tpu.memory_space<vmem>>
        %dma_wait3A_363 = tpu.memref_squeeze %dma_wait3A_362 : memref<1x640x64xf32, #tpu.memory_space<vmem>> -> memref<640x64xf32, #tpu.memory_space<vmem>>
        %dma_wait3A_364 = arith.constant 0 : i32
        %dma_wait3A_365 = arith.constant 0 : i32
        %dma_wait3A_366 = tpu.memref_slice %arg4[%dma_wait3A_364, %dma_wait3A_365] : memref<819200x64xf32, #tpu.memory_space<hbm>> -> memref<640x64xf32, #tpu.memory_space<hbm>>
        tpu.wait_dma2 semaphore(%arg10 : memref<!tpu.dma_semaphore, #tpu.memory_space<semaphore_mem>>) src(%dma_wait3A_366 : memref<640x64xf32, #tpu.memory_space<hbm>>) dst(%dma_wait3A_363 : memref<640x64xf32, #tpu.memory_space<vmem>>)
      } else {
      }
      %dma_wait3A_252 = arith.constant 0 : i32
      %dma_wait3A_253 = arith.constant 0 : i32
      %dma_wait3A_254 = arith.constant 0 : i32
      %dma_wait3A_255 = tpu.memref_slice %arg5[%dma_wait3A_252, %dma_wait3A_253, %dma_wait3A_254] : memref<2x5x128xi32, #tpu.memory_space<vmem>> -> memref<1x5x128xi32, #tpu.memory_space<vmem>>
      %dma_wait3A_256 = tpu.memref_squeeze %dma_wait3A_255 : memref<1x5x128xi32, #tpu.memory_space<vmem>> -> memref<5x128xi32, #tpu.memory_space<vmem>>
      %dma_wait3A_257 = arith.constant 0 : i32
      %dma_wait3A_258 = arith.constant 0 : i32
      %dma_wait3A_259 = tpu.memref_slice %arg3[%dma_wait3A_257, %dma_wait3A_258] : memref<6400x128xi32, #tpu.memory_space<hbm>> -> memref<5x128xi32, #tpu.memory_space<hbm>>
      %dma_wait3A_260 = arith.constant 0 : i32
      %dma_wait3A_261 = arith.constant 0 : i32
      %dma_wait3A_262 = tpu.memref_slice %arg5[%dma_wait3A_252, %dma_wait3A_260, %dma_wait3A_261] : memref<2x5x128xi32, #tpu.memory_space<vmem>> -> memref<1x5x128xi32, #tpu.memory_space<vmem>>
      %dma_wait3A_263 = tpu.memref_squeeze %dma_wait3A_262 : memref<1x5x128xi32, #tpu.memory_space<vmem>> -> memref<5x128xi32, #tpu.memory_space<vmem>>
      %dma_wait3A_264 = arith.constant 0 : i32
      %dma_wait3A_265 = arith.constant 0 : i32
      %dma_wait3A_266 = tpu.memref_slice %arg3[%dma_wait3A_264, %dma_wait3A_265] : memref<6400x128xi32, #tpu.memory_space<hbm>> -> memref<5x128xi32, #tpu.memory_space<hbm>>
      tpu.wait_dma2 semaphore(%arg12 : memref<!tpu.dma_semaphore, #tpu.memory_space<semaphore_mem>>) src(%dma_wait3A_266 : memref<5x128xi32, #tpu.memory_space<hbm>>) dst(%dma_wait3A_263 : memref<5x128xi32, #tpu.memory_space<vmem>>)
      %dma_start3A_267 = arith.constant 1 : i32
      %dma_start3A_268 = arith.constant 0 : i32
      %dma_start3A_269 = arith.constant 1 : i32
      %dma_start3A_270 = arith.constant 0 : i32
      %dma_start3A_271 = arith.constant 0 : i32
      %dma_start3A_272 = tpu.memref_slice %arg6[%dma_start3A_269, %dma_start3A_270, %dma_start3A_271] : memref<2x640x64xf32, #tpu.memory_space<vmem>> -> memref<1x128x64xf32, #tpu.memory_space<vmem>>
      %dma_start3A_273 = tpu.memref_squeeze %dma_start3A_272 : memref<1x128x64xf32, #tpu.memory_space<vmem>> -> memref<128x64xf32, #tpu.memory_space<vmem>>
      %dma_start3A_274 = arith.constant 0 : i32
      %dma_start3A_275 = tpu.memref_slice %arg5[%dma_start3A_267, %dma_start3A_268, %dma_start3A_274] : memref<2x5x128xi32, #tpu.memory_space<vmem>> -> memref<1x1x128xi32, #tpu.memory_space<vmem>>
      %dma_start3A_276 = tpu.memref_squeeze %dma_start3A_275 : memref<1x1x128xi32, #tpu.memory_space<vmem>> -> memref<128xi32, #tpu.memory_space<vmem>>
      %dma_start3A_277 = arith.constant 0 : i32
      %dma_start3A_278 = arith.constant 0 : i32
      %dma_start3A_279 = tpu.memref_slice %arg2[%dma_start3A_277, %dma_start3A_278] : memref<1000000x64xf32, #tpu.memory_space<hbm>> -> memref<1000000x64xf32, #tpu.memory_space<hbm>>
      tpu.enqueue_indirect_dma source(%dma_start3A_279 : memref<1000000x64xf32, #tpu.memory_space<hbm>>) target(%dma_start3A_273 : memref<128x64xf32, #tpu.memory_space<vmem>>) offsets(%dma_start3A_276 : memref<128xi32, #tpu.memory_space<vmem>>) semaphore(%arg8 : memref<!tpu.dma_semaphore, #tpu.memory_space<semaphore_mem>>)
      %dma_start3A_280 = arith.constant 1 : i32
      %dma_start3A_281 = arith.constant 1 : i32
      %dma_start3A_282 = arith.constant 1 : i32
      %dma_start3A_283 = arith.constant 128 : i32
      %dma_start3A_284 = arith.constant 0 : i32
      %dma_start3A_285 = tpu.memref_slice %arg6[%dma_start3A_282, %dma_start3A_283, %dma_start3A_284] : memref<2x640x64xf32, #tpu.memory_space<vmem>> -> memref<1x128x64xf32, #tpu.memory_space<vmem>>
      %dma_start3A_286 = tpu.memref_squeeze %dma_start3A_285 : memref<1x128x64xf32, #tpu.memory_space<vmem>> -> memref<128x64xf32, #tpu.memory_space<vmem>>
      %dma_start3A_287 = arith.constant 0 : i32
      %dma_start3A_288 = tpu.memref_slice %arg5[%dma_start3A_280, %dma_start3A_281, %dma_start3A_287] : memref<2x5x128xi32, #tpu.memory_space<vmem>> -> memref<1x1x128xi32, #tpu.memory_space<vmem>>
      %dma_start3A_289 = tpu.memref_squeeze %dma_start3A_288 : memref<1x1x128xi32, #tpu.memory_space<vmem>> -> memref<128xi32, #tpu.memory_space<vmem>>
      %dma_start3A_290 = arith.constant 0 : i32
      %dma_start3A_291 = arith.constant 0 : i32
      %dma_start3A_292 = tpu.memref_slice %arg2[%dma_start3A_290, %dma_start3A_291] : memref<1000000x64xf32, #tpu.memory_space<hbm>> -> memref<1000000x64xf32, #tpu.memory_space<hbm>>
      tpu.enqueue_indirect_dma source(%dma_start3A_292 : memref<1000000x64xf32, #tpu.memory_space<hbm>>) target(%dma_start3A_286 : memref<128x64xf32, #tpu.memory_space<vmem>>) offsets(%dma_start3A_289 : memref<128xi32, #tpu.memory_space<vmem>>) semaphore(%arg8 : memref<!tpu.dma_semaphore, #tpu.memory_space<semaphore_mem>>)
      %dma_start3A_293 = arith.constant 1 : i32
      %dma_start3A_294 = arith.constant 2 : i32
      %dma_start3A_295 = arith.constant 1 : i32
      %dma_start3A_296 = arith.constant 256 : i32
      %dma_start3A_297 = arith.constant 0 : i32
      %dma_start3A_298 = tpu.memref_slice %arg6[%dma_start3A_295, %dma_start3A_296, %dma_start3A_297] : memref<2x640x64xf32, #tpu.memory_space<vmem>> -> memref<1x128x64xf32, #tpu.memory_space<vmem>>
      %dma_start3A_299 = tpu.memref_squeeze %dma_start3A_298 : memref<1x128x64xf32, #tpu.memory_space<vmem>> -> memref<128x64xf32, #tpu.memory_space<vmem>>
      %dma_start3A_300 = arith.constant 0 : i32
      %dma_start3A_301 = tpu.memref_slice %arg5[%dma_start3A_293, %dma_start3A_294, %dma_start3A_300] : memref<2x5x128xi32, #tpu.memory_space<vmem>> -> memref<1x1x128xi32, #tpu.memory_space<vmem>>
      %dma_start3A_302 = tpu.memref_squeeze %dma_start3A_301 : memref<1x1x128xi32, #tpu.memory_space<vmem>> -> memref<128xi32, #tpu.memory_space<vmem>>
      %dma_start3A_303 = arith.constant 0 : i32
      %dma_start3A_304 = arith.constant 0 : i32
      %dma_start3A_305 = tpu.memref_slice %arg2[%dma_start3A_303, %dma_start3A_304] : memref<1000000x64xf32, #tpu.memory_space<hbm>> -> memref<1000000x64xf32, #tpu.memory_space<hbm>>
      tpu.enqueue_indirect_dma source(%dma_start3A_305 : memref<1000000x64xf32, #tpu.memory_space<hbm>>) target(%dma_start3A_299 : memref<128x64xf32, #tpu.memory_space<vmem>>) offsets(%dma_start3A_302 : memref<128xi32, #tpu.memory_space<vmem>>) semaphore(%arg8 : memref<!tpu.dma_semaphore, #tpu.memory_space<semaphore_mem>>)
      %dma_start3A_306 = arith.constant 1 : i32
      %dma_start3A_307 = arith.constant 3 : i32
      %dma_start3A_308 = arith.constant 1 : i32
      %dma_start3A_309 = arith.constant 384 : i32
      %dma_start3A_310 = arith.constant 0 : i32
      %dma_start3A_311 = tpu.memref_slice %arg6[%dma_start3A_308, %dma_start3A_309, %dma_start3A_310] : memref<2x640x64xf32, #tpu.memory_space<vmem>> -> memref<1x128x64xf32, #tpu.memory_space<vmem>>
      %dma_start3A_312 = tpu.memref_squeeze %dma_start3A_311 : memref<1x128x64xf32, #tpu.memory_space<vmem>> -> memref<128x64xf32, #tpu.memory_space<vmem>>
      %dma_start3A_313 = arith.constant 0 : i32
      %dma_start3A_314 = tpu.memref_slice %arg5[%dma_start3A_306, %dma_start3A_307, %dma_start3A_313] : memref<2x5x128xi32, #tpu.memory_space<vmem>> -> memref<1x1x128xi32, #tpu.memory_space<vmem>>
      %dma_start3A_315 = tpu.memref_squeeze %dma_start3A_314 : memref<1x1x128xi32, #tpu.memory_space<vmem>> -> memref<128xi32, #tpu.memory_space<vmem>>
      %dma_start3A_316 = arith.constant 0 : i32
      %dma_start3A_317 = arith.constant 0 : i32
      %dma_start3A_318 = tpu.memref_slice %arg2[%dma_start3A_316, %dma_start3A_317] : memref<1000000x64xf32, #tpu.memory_space<hbm>> -> memref<1000000x64xf32, #tpu.memory_space<hbm>>
      tpu.enqueue_indirect_dma source(%dma_start3A_318 : memref<1000000x64xf32, #tpu.memory_space<hbm>>) target(%dma_start3A_312 : memref<128x64xf32, #tpu.memory_space<vmem>>) offsets(%dma_start3A_315 : memref<128xi32, #tpu.memory_space<vmem>>) semaphore(%arg8 : memref<!tpu.dma_semaphore, #tpu.memory_space<semaphore_mem>>)
      %dma_start3A_319 = arith.constant 1 : i32
      %dma_start3A_320 = arith.constant 4 : i32
      %dma_start3A_321 = arith.constant 1 : i32
      %dma_start3A_322 = arith.constant 512 : i32
      %dma_start3A_323 = arith.constant 0 : i32
      %dma_start3A_324 = tpu.memref_slice %arg6[%dma_start3A_321, %dma_start3A_322, %dma_start3A_323] : memref<2x640x64xf32, #tpu.memory_space<vmem>> -> memref<1x128x64xf32, #tpu.memory_space<vmem>>
      %dma_start3A_325 = tpu.memref_squeeze %dma_start3A_324 : memref<1x128x64xf32, #tpu.memory_space<vmem>> -> memref<128x64xf32, #tpu.memory_space<vmem>>
      %dma_start3A_326 = arith.constant 0 : i32
      %dma_start3A_327 = tpu.memref_slice %arg5[%dma_start3A_319, %dma_start3A_320, %dma_start3A_326] : memref<2x5x128xi32, #tpu.memory_space<vmem>> -> memref<1x1x128xi32, #tpu.memory_space<vmem>>
      %dma_start3A_328 = tpu.memref_squeeze %dma_start3A_327 : memref<1x1x128xi32, #tpu.memory_space<vmem>> -> memref<128xi32, #tpu.memory_space<vmem>>
      %dma_start3A_329 = arith.constant 0 : i32
      %dma_start3A_330 = arith.constant 0 : i32
      %dma_start3A_331 = tpu.memref_slice %arg2[%dma_start3A_329, %dma_start3A_330] : memref<1000000x64xf32, #tpu.memory_space<hbm>> -> memref<1000000x64xf32, #tpu.memory_space<hbm>>
      tpu.enqueue_indirect_dma source(%dma_start3A_331 : memref<1000000x64xf32, #tpu.memory_space<hbm>>) target(%dma_start3A_325 : memref<128x64xf32, #tpu.memory_space<vmem>>) offsets(%dma_start3A_328 : memref<128xi32, #tpu.memory_space<vmem>>) semaphore(%arg8 : memref<!tpu.dma_semaphore, #tpu.memory_space<semaphore_mem>>)
      %add3A_332 = arith.constant 1 : i32
      %add3A_333 = arith.addi %add3A_212, %add3A_332 : i32
      %min3A_334 = arith.constant 39 : i32
      %min3A_335 = arith.minsi %add3A_333, %min3A_334 : i32
      %mul3A_336 = arith.constant 5 : i32
      %mul3A_337 = arith.muli %min3A_335, %mul3A_336 : i32
      %add3A_338 = arith.addi %mul3A_2, %mul3A_337 : i32
      %dma_start3A_339 = arith.constant 0 : i32
      %dma_start3A_340 = arith.constant 0 : i32
      %dma_start3A_341 = arith.constant 0 : i32
      %dma_start3A_342 = tpu.memref_slice %arg5[%dma_start3A_339, %dma_start3A_340, %dma_start3A_341] : memref<2x5x128xi32, #tpu.memory_space<vmem>> -> memref<1x5x128xi32, #tpu.memory_space<vmem>>
      %dma_start3A_343 = tpu.memref_squeeze %dma_start3A_342 : memref<1x5x128xi32, #tpu.memory_space<vmem>> -> memref<5x128xi32, #tpu.memory_space<vmem>>
      %dma_start3A_344 = arith.constant 0 : i32
      %dma_start3A_345 = tpu.memref_slice %arg3[%add3A_338, %dma_start3A_344] : memref<6400x128xi32, #tpu.memory_space<hbm>> -> memref<5x128xi32, #tpu.memory_space<hbm>>
      %dma_start3A_346 = arith.constant 0 : i32
      %dma_start3A_347 = arith.constant 0 : i32
      %dma_start3A_348 = tpu.memref_slice %arg5[%dma_start3A_339, %dma_start3A_346, %dma_start3A_347] : memref<2x5x128xi32, #tpu.memory_space<vmem>> -> memref<1x5x128xi32, #tpu.memory_space<vmem>>
      %dma_start3A_349 = tpu.memref_squeeze %dma_start3A_348 : memref<1x5x128xi32, #tpu.memory_space<vmem>> -> memref<5x128xi32, #tpu.memory_space<vmem>>
      %dma_start3A_350 = arith.constant 0 : i32
      %dma_start3A_351 = tpu.memref_slice %arg3[%add3A_338, %dma_start3A_350] : memref<6400x128xi32, #tpu.memory_space<hbm>> -> memref<5x128xi32, #tpu.memory_space<hbm>>
      tpu.enqueue_dma source(%dma_start3A_351 : memref<5x128xi32, #tpu.memory_space<hbm>>) target(%dma_start3A_349 : memref<5x128xi32, #tpu.memory_space<vmem>>) target_semaphore(%arg11 : memref<!tpu.dma_semaphore, #tpu.memory_space<semaphore_mem>>)
    }
    %scan3A_21 = arith.constant 20 : i32
    %dma_wait3A = arith.constant 0 : i32
    %dma_wait3A_22 = arith.constant 0 : i32
    %dma_wait3A_23 = arith.constant 0 : i32
    %dma_wait3A_24 = tpu.memref_slice %arg6[%dma_wait3A, %dma_wait3A_22, %dma_wait3A_23] : memref<2x640x64xf32, #tpu.memory_space<vmem>> -> memref<1x640x64xf32, #tpu.memory_space<vmem>>
    %dma_wait3A_25 = tpu.memref_squeeze %dma_wait3A_24 : memref<1x640x64xf32, #tpu.memory_space<vmem>> -> memref<640x64xf32, #tpu.memory_space<vmem>>
    %dma_wait3A_26 = arith.constant 0 : i32
    %dma_wait3A_27 = arith.constant 0 : i32
    %dma_wait3A_28 = tpu.memref_slice %arg4[%dma_wait3A_26, %dma_wait3A_27] : memref<819200x64xf32, #tpu.memory_space<hbm>> -> memref<640x64xf32, #tpu.memory_space<hbm>>
    %dma_wait3A_29 = arith.constant 0 : i32
    %dma_wait3A_30 = arith.constant 0 : i32
    %dma_wait3A_31 = tpu.memref_slice %arg6[%dma_wait3A, %dma_wait3A_29, %dma_wait3A_30] : memref<2x640x64xf32, #tpu.memory_space<vmem>> -> memref<1x640x64xf32, #tpu.memory_space<vmem>>
    %dma_wait3A_32 = tpu.memref_squeeze %dma_wait3A_31 : memref<1x640x64xf32, #tpu.memory_space<vmem>> -> memref<640x64xf32, #tpu.memory_space<vmem>>
    %dma_wait3A_33 = arith.constant 0 : i32
    %dma_wait3A_34 = arith.constant 0 : i32
    %dma_wait3A_35 = tpu.memref_slice %arg4[%dma_wait3A_33, %dma_wait3A_34] : memref<819200x64xf32, #tpu.memory_space<hbm>> -> memref<640x64xf32, #tpu.memory_space<hbm>>
    tpu.wait_dma2 semaphore(%arg8 : memref<!tpu.dma_semaphore, #tpu.memory_space<semaphore_mem>>) src(%dma_wait3A_35 : memref<640x64xf32, #tpu.memory_space<hbm>>) dst(%dma_wait3A_32 : memref<640x64xf32, #tpu.memory_space<vmem>>)
    %add3A_36 = arith.constant 195 : i32
    %add3A_37 = arith.addi %mul3A_2, %add3A_36 : i32
    %mul3A_38 = arith.constant 128 : i32
    %mul3A_39 = arith.muli %add3A_37, %mul3A_38 : i32
    %dma_start3A_40 = arith.constant 1 : i32
    %dma_start3A_41 = arith.constant 0 : i32
    %dma_start3A_42 = arith.constant 0 : i32
    %dma_start3A_43 = tpu.memref_slice %arg6[%dma_start3A_40, %dma_start3A_41, %dma_start3A_42] : memref<2x640x64xf32, #tpu.memory_space<vmem>> -> memref<1x640x64xf32, #tpu.memory_space<vmem>>
    %dma_start3A_44 = tpu.memref_squeeze %dma_start3A_43 : memref<1x640x64xf32, #tpu.memory_space<vmem>> -> memref<640x64xf32, #tpu.memory_space<vmem>>
    %dma_start3A_45 = arith.constant 0 : i32
    %dma_start3A_46 = tpu.memref_slice %arg4[%mul3A_39, %dma_start3A_45] : memref<819200x64xf32, #tpu.memory_space<hbm>> -> memref<640x64xf32, #tpu.memory_space<hbm>>
    %dma_start3A_47 = arith.constant 0 : i32
    %dma_start3A_48 = tpu.memref_slice %arg4[%mul3A_39, %dma_start3A_47] : memref<819200x64xf32, #tpu.memory_space<hbm>> -> memref<640x64xf32, #tpu.memory_space<hbm>>
    %dma_start3A_49 = arith.constant 0 : i32
    %dma_start3A_50 = arith.constant 0 : i32
    %dma_start3A_51 = tpu.memref_slice %arg6[%dma_start3A_40, %dma_start3A_49, %dma_start3A_50] : memref<2x640x64xf32, #tpu.memory_space<vmem>> -> memref<1x640x64xf32, #tpu.memory_space<vmem>>
    %dma_start3A_52 = tpu.memref_squeeze %dma_start3A_51 : memref<1x640x64xf32, #tpu.memory_space<vmem>> -> memref<640x64xf32, #tpu.memory_space<vmem>>
    tpu.enqueue_dma source(%dma_start3A_52 : memref<640x64xf32, #tpu.memory_space<vmem>>) target(%dma_start3A_48 : memref<640x64xf32, #tpu.memory_space<hbm>>) target_semaphore(%arg10 : memref<!tpu.dma_semaphore, #tpu.memory_space<semaphore_mem>>)
    %dma_wait3A_53 = arith.constant 0 : i32
    %dma_wait3A_54 = arith.constant 0 : i32
    %dma_wait3A_55 = arith.constant 0 : i32
    %dma_wait3A_56 = tpu.memref_slice %arg5[%dma_wait3A_53, %dma_wait3A_54, %dma_wait3A_55] : memref<2x5x128xi32, #tpu.memory_space<vmem>> -> memref<1x5x128xi32, #tpu.memory_space<vmem>>
    %dma_wait3A_57 = tpu.memref_squeeze %dma_wait3A_56 : memref<1x5x128xi32, #tpu.memory_space<vmem>> -> memref<5x128xi32, #tpu.memory_space<vmem>>
    %dma_wait3A_58 = arith.constant 0 : i32
    %dma_wait3A_59 = arith.constant 0 : i32
    %dma_wait3A_60 = tpu.memref_slice %arg3[%dma_wait3A_58, %dma_wait3A_59] : memref<6400x128xi32, #tpu.memory_space<hbm>> -> memref<5x128xi32, #tpu.memory_space<hbm>>
    %dma_wait3A_61 = arith.constant 0 : i32
    %dma_wait3A_62 = arith.constant 0 : i32
    %dma_wait3A_63 = tpu.memref_slice %arg5[%dma_wait3A_53, %dma_wait3A_61, %dma_wait3A_62] : memref<2x5x128xi32, #tpu.memory_space<vmem>> -> memref<1x5x128xi32, #tpu.memory_space<vmem>>
    %dma_wait3A_64 = tpu.memref_squeeze %dma_wait3A_63 : memref<1x5x128xi32, #tpu.memory_space<vmem>> -> memref<5x128xi32, #tpu.memory_space<vmem>>
    %dma_wait3A_65 = arith.constant 0 : i32
    %dma_wait3A_66 = arith.constant 0 : i32
    %dma_wait3A_67 = tpu.memref_slice %arg3[%dma_wait3A_65, %dma_wait3A_66] : memref<6400x128xi32, #tpu.memory_space<hbm>> -> memref<5x128xi32, #tpu.memory_space<hbm>>
    tpu.wait_dma2 semaphore(%arg11 : memref<!tpu.dma_semaphore, #tpu.memory_space<semaphore_mem>>) src(%dma_wait3A_67 : memref<5x128xi32, #tpu.memory_space<hbm>>) dst(%dma_wait3A_64 : memref<5x128xi32, #tpu.memory_space<vmem>>)
    %dma_wait3A_68 = arith.constant 0 : i32
    %dma_wait3A_69 = arith.constant 0 : i32
    %dma_wait3A_70 = arith.constant 0 : i32
    %dma_wait3A_71 = tpu.memref_slice %arg6[%dma_wait3A_68, %dma_wait3A_69, %dma_wait3A_70] : memref<2x640x64xf32, #tpu.memory_space<vmem>> -> memref<1x640x64xf32, #tpu.memory_space<vmem>>
    %dma_wait3A_72 = tpu.memref_squeeze %dma_wait3A_71 : memref<1x640x64xf32, #tpu.memory_space<vmem>> -> memref<640x64xf32, #tpu.memory_space<vmem>>
    %dma_wait3A_73 = arith.constant 0 : i32
    %dma_wait3A_74 = arith.constant 0 : i32
    %dma_wait3A_75 = tpu.memref_slice %arg4[%dma_wait3A_73, %dma_wait3A_74] : memref<819200x64xf32, #tpu.memory_space<hbm>> -> memref<640x64xf32, #tpu.memory_space<hbm>>
    %dma_wait3A_76 = arith.constant 0 : i32
    %dma_wait3A_77 = arith.constant 0 : i32
    %dma_wait3A_78 = tpu.memref_slice %arg6[%dma_wait3A_68, %dma_wait3A_76, %dma_wait3A_77] : memref<2x640x64xf32, #tpu.memory_space<vmem>> -> memref<1x640x64xf32, #tpu.memory_space<vmem>>
    %dma_wait3A_79 = tpu.memref_squeeze %dma_wait3A_78 : memref<1x640x64xf32, #tpu.memory_space<vmem>> -> memref<640x64xf32, #tpu.memory_space<vmem>>
    %dma_wait3A_80 = arith.constant 0 : i32
    %dma_wait3A_81 = arith.constant 0 : i32
    %dma_wait3A_82 = tpu.memref_slice %arg4[%dma_wait3A_80, %dma_wait3A_81] : memref<819200x64xf32, #tpu.memory_space<hbm>> -> memref<640x64xf32, #tpu.memory_space<hbm>>
    tpu.wait_dma2 semaphore(%arg9 : memref<!tpu.dma_semaphore, #tpu.memory_space<semaphore_mem>>) src(%dma_wait3A_82 : memref<640x64xf32, #tpu.memory_space<hbm>>) dst(%dma_wait3A_79 : memref<640x64xf32, #tpu.memory_space<vmem>>)
    %dma_wait3A_83 = arith.constant 0 : i32
    %dma_wait3A_84 = arith.constant 0 : i32
    %dma_wait3A_85 = arith.constant 0 : i32
    %dma_wait3A_86 = tpu.memref_slice %arg6[%dma_wait3A_83, %dma_wait3A_84, %dma_wait3A_85] : memref<2x640x64xf32, #tpu.memory_space<vmem>> -> memref<1x640x64xf32, #tpu.memory_space<vmem>>
    %dma_wait3A_87 = tpu.memref_squeeze %dma_wait3A_86 : memref<1x640x64xf32, #tpu.memory_space<vmem>> -> memref<640x64xf32, #tpu.memory_space<vmem>>
    %dma_wait3A_88 = arith.constant 0 : i32
    %dma_wait3A_89 = arith.constant 0 : i32
    %dma_wait3A_90 = tpu.memref_slice %arg4[%dma_wait3A_88, %dma_wait3A_89] : memref<819200x64xf32, #tpu.memory_space<hbm>> -> memref<640x64xf32, #tpu.memory_space<hbm>>
    %dma_wait3A_91 = arith.constant 0 : i32
    %dma_wait3A_92 = arith.constant 0 : i32
    %dma_wait3A_93 = tpu.memref_slice %arg6[%dma_wait3A_83, %dma_wait3A_91, %dma_wait3A_92] : memref<2x640x64xf32, #tpu.memory_space<vmem>> -> memref<1x640x64xf32, #tpu.memory_space<vmem>>
    %dma_wait3A_94 = tpu.memref_squeeze %dma_wait3A_93 : memref<1x640x64xf32, #tpu.memory_space<vmem>> -> memref<640x64xf32, #tpu.memory_space<vmem>>
    %dma_wait3A_95 = arith.constant 0 : i32
    %dma_wait3A_96 = arith.constant 0 : i32
    %dma_wait3A_97 = tpu.memref_slice %arg4[%dma_wait3A_95, %dma_wait3A_96] : memref<819200x64xf32, #tpu.memory_space<hbm>> -> memref<640x64xf32, #tpu.memory_space<hbm>>
    tpu.wait_dma2 semaphore(%arg10 : memref<!tpu.dma_semaphore, #tpu.memory_space<semaphore_mem>>) src(%dma_wait3A_97 : memref<640x64xf32, #tpu.memory_space<hbm>>) dst(%dma_wait3A_94 : memref<640x64xf32, #tpu.memory_space<vmem>>)
    return
  }
}

</mosaic_0001>

<sc_bundles>
// kernel: _sc_gather.3.cloned.1.call-start
scs
__scs_entry_jumppad:
0x0: {  	(pc) =	sbr.rel $0x88, $3  }
0x1: {  	(tag) =	ssettag $0x0;
	lr =	simm.s32 $0x1  }
0x2: {  	[smem:$0x3F9F] =	sst lr;
	_ =	strace $0xD0000000  }
0x3: {  	_ = 	snop  }
0x4: {  	_ = 	snop  }
0x5: {  	_ = 	snop  }
0x6: {  	_ = 	snop  }
0x7: {  	_ = 	snop  }
__scs_overlays_trampoline_lowered:
0x8: {  	[smem:$0x3FAE] =	sst s0  }
0x9: {  	[smem:$0x3FAF] =	sst s1  }
0xa: {  	[smem:$0x3FB0] =	sst s2  }
0xb: {  	[smem:$0x3FB1] =	sst s3  }
0xc: {  	[smem:$0x3FB2] =	sst s4  }
0xd: {  	[smem:$0x3FB3] =	sst s5  }
0xe: {  	[smem:$0x3FB4] =	sst s6  }
0xf: {  	[smem:$0x3FB5] =	sst s7  }
0x10: {  	[smem:$0x3FB6] =	sst s8  }
0x11: {  	[smem:$0x3FB7] =	sst s9;
	s0 =	simm.s32 @!p0 $0x0  }
0x12: {  	s1 =	sld [smem:$0x3F9D];
	s0 =	simm.s32 @p0 $0x1  }
0x13: {  	[smem:$0x3FB8] =	sst s0;
	s0 =	simm.s32 @!p1 $0x0  }
0x14: {  	s2 =	sld [smem:$0x3F9C];
	s0 =	simm.s32 @p1 $0x1  }
0x15: {  	[smem:$0x3FB9] =	sst s0;
	s0 =	simm.s32 @!p2 $0x0  }
0x16: {  	s3 =	sld [smem:$0x3FDB];
	s0 =	simm.s32 @p2 $0x1  }
0x17: {  	s4 =	simm.s32 $0x1BF5;
	[smem:$0x3FBB] =	sst s0  }
0x18: {  	s0 =	sld [smem:$0x3F9E];
	_ =	swait.ge [sflag:s4], $0x0  }
0x19: {  	s7 =	sld [smem:$0x3F9F]  }
0x1a: {  	s8 =	sadd.s32 $0xFFFFE003, lr  }
0x1b: {  	s9 =	sadd.s32 $0xFFFFFEF7, lr;
	s5 =	simm.s32 $0xFFFFFFFF;
	p2 =	slt.u32 s8, $0xFFFFF086  }
0x1c: {  	p1 =	slt.u32 s9, $0xF7A;
	s5 =	simm.s32 @!p2 $0x0  }
0x1d: {  	s5 =	simm.s32 @p1 $0x1;
	p0 =	seq.s32 s7, s2  }
0x1e: {  	s7 =	smul.u32 @!p0 $0xF7A, s2;
	p2 =	seq.s32 @!p0 s5, $0x0  }
0x1f: {  	s9 =	smul.u32 $0xF7A, s1;
	s8 =	simm.s32 @!p0 $0x1BF5;
	p2 =	por !p2, p0  }
0x20: {  	[sflag:s8] =	ssyncset.s32 @!p0 $0xFFFFF086;
	s6 =	sadd.s32 @!p0 s3, s7;
	s7 =	simm.s32 @!p0 $0x108  }
0x21: {  	s3 =	sadd.s32 s3, s9;
	s6 =	sadd.s32 @!p0 $0x88, s6;
	s7 =	simm.s32 @p2 $0x1082  }
0x22: {  	[simem:s7], [sflag:s8] =	dma.local @!p0 [hbm:s6], $0xF7A  }
0x23: {  	s9 =	sor.u32 $0xD0000000, s2;
	s6 =	simm.s32 $0x108;
	_ =	swait.ge @!p0 [sflag:s8], $0x0  }
0x24: {  	s3 =	sadd.s32 $0x88, s3;
	s6 =	simm.s32 @!p1 $0x1082;
	[sflag:s4] =	ssyncset.s32 $0xFFFFF086  }
0x25: {  	[simem:s6], [sflag:s4] =	dma.local [hbm:s3], $0xF7A  }
0x26: {  	[smem:$0x3F9F] =	sst s1;
	(tag) =	ssettag s2;
	_ =	strace s9  }
0x27: {  	s1 =	sld [smem:$0x3FAF]  }
0x28: {  	s2 =	sld [smem:$0x3FB0]  }
0x29: {  	s4 =	sld [smem:$0x3FB2]  }
0x2a: {  	p0 =	seq.s32 s5, $0x0;
	s5 =	sld [smem:$0x3FB3]  }
0x2b: {  	s6 =	sld [smem:$0x3FB4]  }
0x2c: {  	s7 =	sld [smem:$0x3FB5]  }
0x2d: {  	s3 =	simm.s32 $0x108;
	s8 =	sld [smem:$0x3FB6]  }
0x2e: {  	s3 =	simm.s32 @!p0 $0x1082;
	s9 =	sld [smem:$0x3FB7]  }
0x2f: {  	lr =	sadd.s32 s0, s3;
	s0 =	sld [smem:$0x3FAE]  }
0x30: {  	s3 =	sld [smem:$0x3FB1]  }
0x31: {  	[smem:$0x3FBA] =	sst s10  }
0x32: {  	s10 =	sld [smem:$0x3FB8];
	_ =	sdelay $0x3  }
0x33: {  	p0 =	seq.s32 s10, $0x1;
	s10 =	sld [smem:$0x3FBA];
	_ =	sdelay $0x3  }
0x34: {  	[smem:$0x3FBA] =	sst s10  }
0x35: {  	s10 =	sld [smem:$0x3FB9];
	_ =	sdelay $0x3  }
0x36: {  	p1 =	seq.s32 s10, $0x1;
	s10 =	sld [smem:$0x3FBA];
	_ =	sdelay $0x3  }
0x37: {  	[smem:$0x3FBA] =	sst s10  }
0x38: {  	s10 =	sld [smem:$0x3FBB]  }
0x39: {  	_ = 	snop;
	(pc) =	sbr.ind lr, $3  }
0x3a: {  	_ = 	snop  }
0x3b: {  	_ = 	snop  }
0x3c: {  	p2 =	seq.s32 s10, $0x1;
	s10 =	sld [smem:$0x3FBA]  }
0x3d: {  	_ =	shalt  }
0x3e: {  	_ =	shalt  }
0x3f: {  	_ =	shalt  }
0x40: {  	_ =	shalt  }
0x41: {  	_ =	shalt  }
0x42: {  	_ =	shalt  }
0x43: {  	_ =	shalt  }
0x44: {  	_ =	shalt  }
0x45: {  	_ =	shalt  }
0x46: {  	_ =	shalt  }
0x47: {  	_ =	shalt  }
0x48: {  	_ =	shalt  }
0x49: {  	_ =	shalt  }
0x4a: {  	_ =	shalt  }
0x4b: {  	_ =	shalt  }
0x4c: {  	_ =	shalt  }
0x4d: {  	_ =	shalt  }
0x4e: {  	_ =	shalt  }
0x4f: {  	_ =	shalt  }
0x50: {  	_ =	shalt  }
0x51: {  	_ =	shalt  }
0x52: {  	_ =	shalt  }
0x53: {  	_ =	shalt  }
0x54: {  	_ =	shalt  }
0x55: {  	_ =	shalt  }
0x56: {  	_ =	shalt  }
0x57: {  	_ =	shalt  }
0x58: {  	_ =	shalt  }
0x59: {  	_ =	shalt  }
0x5a: {  	_ =	shalt  }
0x5b: {  	_ =	shalt  }
0x5c: {  	_ =	shalt  }
0x5d: {  	_ =	shalt  }
0x5e: {  	_ =	shalt  }
0x5f: {  	_ =	shalt  }
0x60: {  	_ =	shalt  }
0x61: {  	_ =	shalt  }
0x62: {  	_ =	shalt  }
0x63: {  	_ =	shalt  }
0x64: {  	_ =	shalt  }
0x65: {  	_ =	shalt  }
0x66: {  	_ =	shalt  }
0x67: {  	_ =	shalt  }
0x68: {  	_ =	shalt  }
0x69: {  	_ =	shalt  }
0x6a: {  	_ =	shalt  }
0x6b: {  	_ =	shalt  }
0x6c: {  	_ =	shalt  }
0x6d: {  	_ =	shalt  }
0x6e: {  	_ =	shalt  }
0x6f: {  	_ =	shalt  }
0x70: {  	_ =	shalt  }
0x71: {  	_ =	shalt  }
0x72: {  	_ =	shalt  }
0x73: {  	_ =	shalt  }
0x74: {  	_ =	shalt  }
0x75: {  	_ =	shalt  }
0x76: {  	_ =	shalt  }
0x77: {  	_ =	shalt  }
0x78: {  	_ =	shalt  }
0x79: {  	_ =	shalt  }
0x7a: {  	_ =	shalt  }
0x7b: {  	_ =	shalt  }
0x7c: {  	_ =	shalt  }
0x7d: {  	_ =	shalt  }
0x7e: {  	_ =	shalt  }
0x7f: {  	_ =	shalt  }
0x80: {  	_ =	shalt  }
0x81: {  	_ =	shalt  }
0x82: {  	_ =	shalt  }
0x83: {  	_ =	shalt  }
0x84: {  	_ =	shalt  }
0x85: {  	_ =	shalt  }
0x86: {  	_ =	shalt  }
0x87: {  	_ =	shalt  }
.Lfunc_end0:
.L_simem_size_0:
called_computation.1_lowered:
.L_overlay_start_0:
0x88: {  	s2 =	sld [smem:$0x3FD9]  }
0x89: {  	s3 =	sld [smem:$0x3FFE];
	_ =	sdelay $0x1  }
0x8a: {  	s1 =	srdreg.scid  }
0x8b: {  	s0 =	sand.u32 $0x1, s1  }
0x8c: {  	s17 =	sshll.u32 s0, $0xA;
	s2 =	sadd.s32 s3, s2  }
0x8d: {  	s2 =	sadd.s32 s2, s17  }
0x8e: {  	[smem:$0x3FC6] =	sst s2  }
0x8f: {  	_ = 	snop  }
0x90: {  	s2 =	sld [smem:$0x3FC8]  }
0x91: {  	s18 =	sld [smem:$0x3FD0];
	(tm) =	ssettm $0x1  }
0x92: {  	s4 =	sld [smem:$0x3FFB];
	_ =	sdelay $0x3  }
0x93: {  	_ =	strace s4  }
0x94: {  	s4 =	sld [smem:$0x3FFC];
	_ =	sdelay $0x3  }
0x95: {  	_ =	strace s4  }
0x96: {  	s4 =	sld [smem:$0x3FFD];
	_ =	sdelay $0x3  }
0x97: {  	_ =	strace s4  }
0x98: {  	_ =	strace $0x8FFFFFFF  }
0x99: {  	s19 =	sld [smem:$0x3FDB];
	_ =	sdelay $0x1  }
0x9a: {  	s5 =	simm.s32 $_scs_section_size  }
0x9b: {  	s6 =	simm.s32 $_size__tile_overlayer_lowered;
	s7 =	simm.s32 $_tile_overlayer_lowered  }
0x9c: {  	s22 =	simm.s32 $0x1BFF;
	s21 =	sshll.u32 s7, $0x1;
	s4 =	sadd.s32 s5, s19  }
0x9d: {  	s8 =	simm.s32 $0x0;
	s20 =	sshll.u32 s6, $0x1;
	s6 =	sadd.s32 s21, s4  }
0x9e: {  	[timem:s8], [sflag:s22] =	dma.local [hbm:s6], s20  }
0x9f: {  	_ =	swait.ge [sflag:s22], s20  }
0xa0: {  	s5 =	ssub.s32 $0x0, s20;
	[sflag:s22] =	ssyncset.done $0x0  }
0xa1: {  	[sflag:s22] =	ssyncadd.s32 s5;
	_ =	sdelay $0x1  }
0xa2: {  	s23 =	simm.s32 $0x1B8B  }
0xa3: {  	_ =	swait.ge [sflag:s23], $0x1  }
0xa4: {  	[sflag:s23] =	ssyncset.done $0x0  }
0xa5: {  	s25 =	simm.s32 $0x1B8E;
	s24 =	sld [smem:$0x3FFE];
	[sflag:s23] =	ssyncadd.s32 $0xFFFFFFFF  }
0xa6: {  	s26 =	simm.s32 $execute0_lowered;
	[smem:$0x3FD2] =	sst s25  }
0xa7: {  	s6 =	sshll.u32 s26, $0x1;
	_ =	strace $0x80000046;
	[dreg:$0x1] =	wrdreg $0xFFFFFFFF  }
0xa8: {  	s28 =	simm.s32 $_size_execute0_lowered;
	s4 =	sadd.s32 s4, s6;
	[dreg:$0x0] =	wrdreg $0x0  }
0xa9: {  	s6 =	sshll.u32 s28, $0x1;
	[dreg:$0x2] =	wrdreg s4  }
0xaa: {  	[dreg:$0x3] =	wrdreg s6  }
0xab: {  	[dreg:$0x4] =	wrdreg $0xC0  }
0xac: {  	_ =	task [dreg:s8], $0x5FFFF  }
0xad: {  	[dreg:$0x1] =	wrdreg $0xFFFFFFFF  }
0xae: {  	[dreg:$0x0] =	wrdreg $0x60  }
0xaf: {  	[dreg:$0x2] =	wrdreg s24  }
0xb0: {  	[dreg:$0x3] =	wrdreg s2  }
0xb1: {  	[dreg:$0x4] =	wrdreg s18  }
0xb2: {  	[dreg:$0x5] =	wrdreg $0x9  }
0xb3: {  	_ =	task.clear_ibuf [dreg:s8], $0x6FFFF;
	_ =	strace $0x90000046  }
0xb4: {  	s29 =	simm.s32 $0x9;
	_ =	strace $0x80000048  }
0xb5: {  	_ =	swait.ge [sflag:s29], $0x1  }
0xb6: {  	[sflag:s29] =	ssyncadd.s32 $0xFFFFFFFF  }
0xb7: {  	_ =	strace $0x90000048  }
0xb8: {  	_ =	sfence  }
0xb9: {  	s30 =	sld [smem:$0x0];
	_ =	sdelay $0x2  }
0xba: {  	s31 =	sshll.u32 s1, $0xD;
	s1 =	sshrl.u32 s1, $0x2  }
0xbb: {  	s3 =	sand.u32 $0x4000, s31;
	s1 =	sadd.s32 s1, s30  }
0xbc: {  	s0 =	sor.u32 s3, s0;
	s1 =	sshll.u32 s1, $0x11  }
0xbd: {  	s0 =	sor.u32 s1, s0  }
0xbe: {  	s0 =	sadd.s32 $0x8F2B, s0  }
0xbf: {  	[sflag:s0] =	ssyncadd.remote.s32 $0x1  }
0xc0: {  	_ =	sfence.sel $0xFFFF  }
0xc1: {  	[dreg:$0x0] =	wrdreg $0xFFFFFFFF;
	(pc) =	sbr.abs _section_cstart, $3  }
0xc2: {  	[dreg:$0x1] =	wrdreg $0xFFFFFFFF  }
0xc3: {  	_ =	task.clear_ibuf [dreg:s8], $0x2FFFF;
	_ =	strace $0x9FFFFFFF  }
0xc4: {  	(tm) =	ssettm $0x7FFFFFFF  }
0xc5: {  	_ =	shalt  }
tec
execute0_lowered:
.L_overlay_start_1:
0x0: {  	(tag) =	ssettag $0x1  }
0x1: {  	s0 =	rddreg [dreg:$0x0]  }
0x2: {  	s1 =	rddreg [dreg:$0x1]  }
0x3: {  	s4 =	rddreg [dreg:$0x2]  }
0x4: {  	s3 =	srdreg.scid;
	s11 =	stileid.u32;
	s2 =	simm.s32 $0x0  }
0x5: {  	s15 =	simm.s32 $0x5;
	s28 =	simm.s32 $0x6;
	s10 =	smul.u32 $0x190, s11  }
0x6: {  	s29 =	simm.s32 $0xA500;
	s5 =	sand.u32 $0x1, s3;
	s25 =	smul.u32 $0x64000, s11  }
0x7: {  	s12 =	simm.s32 $0x3;
	s16 =	sshll.u32 s11, $0x1;
	s18 =	smul.u32 $0xC8, s5  }
0x8: {  	s6 =	sor.u32 s5, s16;
	s17 =	ssub.s32 $0x2, s5;
	s5 =	smul.u32 $0x32000, s5  }
0x9: {  	[smem:$0x7FF] =	sst s2;
	s3 =	sadd.s32 $0xF42C00, s0;
	s7 =	smul.u32 $0x190000, s6  }
0xa: {  	_ =	strace $0x80000047;
	s8 =	smul.u32 $0xC80, s6;
	s9 =	sshrl.u32 s17, $0x1  }
0xb: {  	s16 =	simm.s32 $0x80;
	s6 =	smul.u32 $0x32000, s6;
	s0 =	ssub.s32 s17, s9  }
0xc: {  	s20 =	sadd.s32 s18, s10;
	s17 =	simm.s32 $0x500;
	s10 =	simm.s32 $0x2  }
0xd: {  	s7 =	sshrl.u32 s7, $0x3;
	s8 =	sadd.s32 s1, s8;
	s0 =	smax.u32 s0, $0x1  }
0xe: {  	s21 =	sadd.s32 s4, s6;
	s23 =	sshll.u32 s20, $0x4;
	[dreg:$0x8] =	wrdreg s0  }
0xf: {  	s6 =	sadd.s32 s25, s4;
	s25 =	simm.s32 $0x280;
	[dreg:$0x6] =	wrdreg s8  }
0x10: {  	s7 =	sadd.s32 s4, s7;
	s19 =	sadd.s32 $0x50, s8;
	[dreg:$0xa] =	wrdreg s21  }
0x11: {  	s22 =	sadd.s32 $0xA0, s8;
	s24 =	sadd.s32 $0x2E400, s21;
	[dreg:$0x9] =	wrdreg s19  }
0x12: {  	s1 =	sadd.s32 s1, s23;
	s26 =	sadd.s32 $0xC30, s8;
	[dreg:$0xb] =	wrdreg s22  }
0x13: {  	s31 =	sadd.s32 $0x2F800, s21;
	s5 =	sadd.s32 s5, s6;
	[dreg:$0xc] =	wrdreg s24  }
0x14: {  	s0 =	sshll.u32 s20, $0xA;
	s8 =	simm.s32 $0x4;
	[dreg:$0xd] =	wrdreg s26  }
0x15: {  	s20 =	simm.s32 $0x100;
	s7 =	sadd.s32 $0x30C00, s7;
	[dreg:$0xe] =	wrdreg s31  }
0x16: {  	s21 =	simm.s32 $0x4500;
	s30 =	sadd.s32 $0x140, s1;
	[dreg:$0x7] =	wrdreg s7  }
0x17: {  	s23 =	simm.s32 $0x6500;
	s5 =	sadd.s32 $0x2800, s5;
	[dreg:$0x4] =	wrdreg s30  }
0x18: {  	s1 =	sadd.s32 $0xF0, s1;
	s0 =	sadd.s32 s0, s4;
	[dreg:$0xf] =	wrdreg s5  }
0x19: {  	s26 =	simm.s32 $0x1;
	[dreg:$0x5] =	wrdreg s1;
	s0 =	sadd.s32 $0x1400, s0  }
0x1a: {  	s22 =	simm.s32 $0x180;
	[dreg:$0x10] =	wrdreg s0;
	s0 =	simm.s32 $0x0  }
.LBB2_1:
0x1b: {  	[dreg:$0x11] =	wrdreg s0  }
0x1c: {  	s4 =	rddreg [dreg:$0x6]  }
0x1d: {  	[tilespmem:s2], [sflag:$0x5] =	stream.linear.gather [hbm4b:s4+s2], $0x280, $0x38;
	[tilespmem:$0x14500] =	vst v63  }
0x1e: {  	_ =	swait.ge [sflag:s15], $0x280  }
0x1f: {  	[sflag:s15] =	ssyncset.done $0x0  }
0x20: {  	[sflag:s15] =	ssyncadd.s32 $0xFFFFFD80  }
0x21: {  	[tilespmem:s17], [sflag:$0x1] =	stream.indirect.gather [hbm4b:s3+s16], $0x40, s2, s16, $0xb8;
	[tilespmem:$0x14500] =	vst v63  }
0x22: {  	s11 =	simm.s32 $0x2500  }
0x23: {  	[tilespmem:s11], [sflag:$0x1] =	stream.indirect.gather [hbm4b:s3+s16], $0x40, s16, s16, $0xb8;
	[tilespmem:$0x14500] =	vst v63  }
0x24: {  	s13 =	simm.s32 $0x100;
	s18 =	simm.s32 $0x4500  }
0x25: {  	[tilespmem:s18], [sflag:$0x1] =	stream.indirect.gather [hbm4b:s3+s16], $0x40, s13, s16, $0xb8;
	[tilespmem:$0x14500] =	vst v63  }
0x26: {  	s24 =	simm.s32 $0x180;
	s30 =	simm.s32 $0x6500  }
0x27: {  	[tilespmem:s30], [sflag:$0x1] =	stream.indirect.gather [hbm4b:s3+s16], $0x40, s24, s16, $0xb8;
	[tilespmem:$0x14500] =	vst v63  }
0x28: {  	s31 =	simm.s32 $0x200;
	s19 =	simm.s32 $0x8500  }
0x29: {  	[tilespmem:s19], [sflag:$0x1] =	stream.indirect.gather [hbm4b:s3+s16], $0x40, s31, s16, $0xb8;
	[tilespmem:$0x14500] =	vst v63  }
0x2a: {  	s0 =	rddreg [dreg:$0x9]  }
0x2b: {  	[tilespmem:s25], [sflag:$0x6] =	stream.linear.gather [hbm4b:s0+s2], $0x280, $0x38;
	[tilespmem:$0x14500] =	vst v63  }
0x2c: {  	_ =	swait.ge [sflag:s26], $0xA000  }
0x2d: {  	[sflag:s26] =	ssyncset.done $0x0  }
0x2e: {  	s1 =	rddreg [dreg:$0xa];
	[sflag:s26] =	ssyncadd.s32 $0xFFFF6000  }
0x2f: {  	[hbm4b:s1+s2] =	stream.linear.scatter [tilespmem:s17], [sflag:$0x3], $0xA000, $0x38;
	[tilespmem:$0x14500] =	vst v63  }
0x30: {  	_ =	swait.ge [sflag:s28], $0x280  }
0x31: {  	[sflag:s28] =	ssyncset.done $0x0  }
0x32: {  	[sflag:s28] =	ssyncadd.s32 $0xFFFFFD80  }
0x33: {  	[tilespmem:s29], [sflag:$0x2] =	stream.indirect.gather [hbm4b:s3+s16], $0x40, s25, s16, $0xb8;
	[tilespmem:$0x14500] =	vst v63  }
0x34: {  	s5 =	simm.s32 $0x300;
	s7 =	simm.s32 $0xC500  }
0x35: {  	[tilespmem:s7], [sflag:$0x2] =	stream.indirect.gather [hbm4b:s3+s16], $0x40, s5, s16, $0xb8;
	[tilespmem:$0x14500] =	vst v63  }
0x36: {  	s6 =	simm.s32 $0x380;
	s19 =	simm.s32 $0xE500  }
0x37: {  	[tilespmem:s19], [sflag:$0x2] =	stream.indirect.gather [hbm4b:s3+s16], $0x40, s6, s16, $0xb8;
	[tilespmem:$0x14500] =	vst v63  }
0x38: {  	s9 =	simm.s32 $0x400;
	s4 =	simm.s32 $0x10500  }
0x39: {  	[tilespmem:s4], [sflag:$0x2] =	stream.indirect.gather [hbm4b:s3+s16], $0x40, s9, s16, $0xb8;
	[tilespmem:$0x14500] =	vst v63  }
0x3a: {  	s14 =	simm.s32 $0x480;
	s1 =	simm.s32 $0x12500  }
0x3b: {  	[tilespmem:s1], [sflag:$0x2] =	stream.indirect.gather [hbm4b:s3+s16], $0x40, s14, s16, $0xb8;
	[tilespmem:$0x14500] =	vst v63  }
0x3c: {  	s1 =	rddreg [dreg:$0xb]  }
0x3d: {  	[tilespmem:s2], [sflag:$0x5] =	stream.linear.gather [hbm4b:s1+s2], $0x280, $0x38;
	[tilespmem:$0x14500] =	vst v63  }
0x3e: {  	_ =	swait.ge [sflag:s10], $0xA000  }
0x3f: {  	[sflag:s10] =	ssyncset.done $0x0  }
0x40: {  	s14 =	rddreg [dreg:$0x10];
	[sflag:s10] =	ssyncadd.s32 $0xFFFF6000  }
0x41: {  	[hbm4b:s14+s2] =	stream.linear.scatter [tilespmem:s29], [sflag:$0x4], $0xA000, $0x38;
	[tilespmem:$0x14500] =	vst v63  }
0x42: {  	_ =	swait.ge [sflag:s12], $0xA000  }
0x43: {  	[sflag:s12] =	ssyncset.done $0x0  }
0x44: {  	[sflag:s12] =	ssyncadd.s32 $0xFFFF6000  }
0x45: {  	_ =	swait.ge [sflag:s15], $0x280  }
0x46: {  	[sflag:s15] =	ssyncset.done $0x0  }
0x47: {  	[sflag:s15] =	ssyncadd.s32 $0xFFFFFD80  }
0x48: {  	[tilespmem:s17], [sflag:$0x1] =	stream.indirect.gather [hbm4b:s3+s16], $0x40, s2, s16, $0xb8;
	[tilespmem:$0x14500] =	vst v63  }
0x49: {  	_ = 	snop  }
0x4a: {  	[tilespmem:s11], [sflag:$0x1] =	stream.indirect.gather [hbm4b:s3+s16], $0x40, s16, s16, $0xb8;
	[tilespmem:$0x14500] =	vst v63  }
0x4b: {  	_ = 	snop  }
0x4c: {  	[tilespmem:s18], [sflag:$0x1] =	stream.indirect.gather [hbm4b:s3+s16], $0x40, s13, s16, $0xb8;
	[tilespmem:$0x14500] =	vst v63  }
0x4d: {  	_ = 	snop  }
0x4e: {  	[tilespmem:s30], [sflag:$0x1] =	stream.indirect.gather [hbm4b:s3+s16], $0x40, s24, s16, $0xb8;
	[tilespmem:$0x14500] =	vst v63  }
0x4f: {  	s13 =	rddreg [dreg:$0x5];
	s18 =	simm.s32 $0x8500  }
0x50: {  	[tilespmem:s18], [sflag:$0x1] =	stream.indirect.gather [hbm4b:s3+s16], $0x40, s31, s16, $0xb8;
	[tilespmem:$0x14500] =	vst v63  }
0x51: {  	s4 =	sadd.s32 $0x0, s13  }
0x52: {  	[tilespmem:s25], [sflag:$0x6] =	stream.linear.gather [hbm4b:s4+s2], $0x280, $0x38;
	[tilespmem:$0x14500] =	vst v63  }
0x53: {  	_ =	swait.ge [sflag:s26], $0xA000  }
0x54: {  	[sflag:s26] =	ssyncset.done $0x0  }
0x55: {  	s13 =	rddreg [dreg:$0xf];
	[sflag:s26] =	ssyncadd.s32 $0xFFFF6000  }
0x56: {  	[hbm4b:s13+s2] =	stream.linear.scatter [tilespmem:s17], [sflag:$0x3], $0xA000, $0x38;
	[tilespmem:$0x14500] =	vst v63  }
0x57: {  	_ =	swait.ge [sflag:s8], $0xA000  }
0x58: {  	[sflag:s8] =	ssyncset.done $0x0  }
0x59: {  	[sflag:s8] =	ssyncadd.s32 $0xFFFF6000  }
0x5a: {  	_ =	swait.ge [sflag:s28], $0x280  }
0x5b: {  	s0 =	simm.s32 $0xC500;
	[sflag:s28] =	ssyncset.done $0x0  }
0x5c: {  	s1 =	simm.s32 $0x380;
	s14 =	sadd.s32 $0x2800, s14;
	[sflag:s28] =	ssyncadd.s32 $0xFFFFFD80  }
0x5d: {  	[tilespmem:s29], [sflag:$0x2] =	stream.indirect.gather [hbm4b:s3+s16], $0x40, s25, s16, $0xb8;
	[tilespmem:$0x14500] =	vst v63  }
0x5e: {  	s11 =	simm.s32 $0x480;
	s24 =	simm.s32 $0x200;
	s30 =	simm.s32 $0x8500  }
0x5f: {  	[tilespmem:s7], [sflag:$0x2] =	stream.indirect.gather [hbm4b:s3+s16], $0x40, s5, s16, $0xb8;
	[tilespmem:$0x14500] =	vst v63  }
0x60: {  	s31 =	simm.s32 $0x300;
	s18 =	simm.s32 $0x12500;
	s4 =	rddreg [dreg:$0x4]  }
0x61: {  	[tilespmem:s19], [sflag:$0x2] =	stream.indirect.gather [hbm4b:s3+s16], $0x40, s6, s16, $0xb8;
	[tilespmem:$0x14500] =	vst v63  }
0x62: {  	s13 =	sadd.s32 $0x2800, s13;
	s4 =	sadd.s32 $0x0, s4;
	s19 =	simm.s32 $0x10500  }
0x63: {  	[tilespmem:s19], [sflag:$0x2] =	stream.indirect.gather [hbm4b:s3+s16], $0x40, s9, s16, $0xb8;
	[tilespmem:$0x14500] =	vst v63  }
0x64: {  	s5 =	simm.s32 $0xE500;
	s7 =	simm.s32 $0x10500;
	s6 =	simm.s32 $0x400  }
0x65: {  	[tilespmem:s18], [sflag:$0x2] =	stream.indirect.gather [hbm4b:s3+s16], $0x40, s11, s16, $0xb8;
	[tilespmem:$0x14500] =	vst v63  }
0x66: {  	s9 =	simm.s32 $0x480;
	s19 =	simm.s32 $0x12500;
	s11 =	simm.s32 $0xA0  }
.LBB2_2:
0x67: {  	[tilespmem:s2], [sflag:$0x5] =	stream.linear.gather [hbm4b:s4+s2], $0x280, $0x38;
	[tilespmem:$0x14500] =	vst v63  }
0x68: {  	_ =	swait.ge [sflag:s10], $0xA000  }
0x69: {  	[sflag:s10] =	ssyncset.done $0x0  }
0x6a: {  	[sflag:s10] =	ssyncadd.s32 $0xFFFF6000  }
0x6b: {  	[hbm4b:s14+s2] =	stream.linear.scatter [tilespmem:s29], [sflag:$0x4], $0xA000, $0x38;
	[tilespmem:$0x14500] =	vst v63  }
0x6c: {  	_ =	swait.ge [sflag:s12], $0xA000  }
0x6d: {  	[sflag:s12] =	ssyncset.done $0x0  }
0x6e: {  	[sflag:s12] =	ssyncadd.s32 $0xFFFF6000  }
0x6f: {  	_ =	swait.ge [sflag:s15], $0x280  }
0x70: {  	[sflag:s15] =	ssyncset.done $0x0  }
0x71: {  	[sflag:s15] =	ssyncadd.s32 $0xFFFFFD80  }
0x72: {  	[tilespmem:s17], [sflag:$0x1] =	stream.indirect.gather [hbm4b:s3+s16], $0x40, s2, s16, $0xb8;
	[tilespmem:$0x14500] =	vst v63  }
0x73: {  	s18 =	simm.s32 $0x2500  }
0x74: {  	[tilespmem:s18], [sflag:$0x1] =	stream.indirect.gather [hbm4b:s3+s16], $0x40, s16, s16, $0xb8;
	[tilespmem:$0x14500] =	vst v63  }
0x75: {  	_ = 	snop  }
0x76: {  	[tilespmem:s21], [sflag:$0x1] =	stream.indirect.gather [hbm4b:s3+s16], $0x40, s20, s16, $0xb8;
	[tilespmem:$0x14500] =	vst v63  }
0x77: {  	_ = 	snop  }
0x78: {  	[tilespmem:s23], [sflag:$0x1] =	stream.indirect.gather [hbm4b:s3+s16], $0x40, s22, s16, $0xb8;
	[tilespmem:$0x14500] =	vst v63  }
0x79: {  	s4 =	smov.u32 s11;
	s18 =	rddreg [dreg:$0x5]  }
0x7a: {  	[tilespmem:s30], [sflag:$0x1] =	stream.indirect.gather [hbm4b:s3+s16], $0x40, s24, s16, $0xb8;
	[tilespmem:$0x14500] =	vst v63  }
0x7b: {  	s18 =	sadd.s32 s4, s18  }
0x7c: {  	[tilespmem:s25], [sflag:$0x6] =	stream.linear.gather [hbm4b:s18+s2], $0x280, $0x38;
	[tilespmem:$0x14500] =	vst v63  }
0x7d: {  	_ =	swait.ge [sflag:s26], $0xA000  }
0x7e: {  	[sflag:s26] =	ssyncset.done $0x0  }
0x7f: {  	[sflag:s26] =	ssyncadd.s32 $0xFFFF6000  }
0x80: {  	[hbm4b:s13+s2] =	stream.linear.scatter [tilespmem:s17], [sflag:$0x3], $0xA000, $0x38;
	[tilespmem:$0x14500] =	vst v63  }
0x81: {  	_ =	swait.ge [sflag:s8], $0xA000  }
0x82: {  	[sflag:s8] =	ssyncset.done $0x0  }
0x83: {  	[sflag:s8] =	ssyncadd.s32 $0xFFFF6000  }
0x84: {  	_ =	swait.ge [sflag:s28], $0x280  }
0x85: {  	[sflag:s28] =	ssyncset.done $0x0  }
0x86: {  	[sflag:s28] =	ssyncadd.s32 $0xFFFFFD80  }
0x87: {  	[tilespmem:s29], [sflag:$0x2] =	stream.indirect.gather [hbm4b:s3+s16], $0x40, s25, s16, $0xb8;
	[tilespmem:$0x14500] =	vst v63  }
0x88: {  	_ = 	snop  }
0x89: {  	[tilespmem:s0], [sflag:$0x2] =	stream.indirect.gather [hbm4b:s3+s16], $0x40, s31, s16, $0xb8;
	[tilespmem:$0x14500] =	vst v63  }
0x8a: {  	p0 =	sne.s32 s11, $0xAA0  }
0x8b: {  	[tilespmem:s5], [sflag:$0x2] =	stream.indirect.gather [hbm4b:s3+s16], $0x40, s1, s16, $0xb8;
	[tilespmem:$0x14500] =	vst v63  }
.Ltmp0:
0x8c: {  	_ = 	snop;
	(pc) =	sbr.rel @p0 .LBB2_2-.Ltmp0, $4  }
0x8d: {  	s11 =	sadd.s32 $0xA0, s11;
	s18 =	rddreg [dreg:$0x4]  }
0x8e: {  	[tilespmem:s7], [sflag:$0x2] =	stream.indirect.gather [hbm4b:s3+s16], $0x40, s6, s16, $0xb8;
	[tilespmem:$0x14500] =	vst v63  }
0x8f: {  	s14 =	sadd.s32 $0x2800, s14;
	s13 =	sadd.s32 $0x2800, s13;
	s4 =	sadd.s32 s4, s18  }
0x90: {  	[tilespmem:s19], [sflag:$0x2] =	stream.indirect.gather [hbm4b:s3+s16], $0x40, s9, s16, $0xb8;
	[tilespmem:$0x14500] =	vst v63  }
0x91: {  	[tilespmem:s2], [sflag:$0x5] =	stream.linear.gather [hbm4b:s4+s2], $0x280, $0x38;
	[tilespmem:$0x14500] =	vst v63  }
0x92: {  	_ =	swait.ge [sflag:s10], $0xA000  }
0x93: {  	[sflag:s10] =	ssyncset.done $0x0  }
0x94: {  	s13 =	rddreg [dreg:$0xc];
	[sflag:s10] =	ssyncadd.s32 $0xFFFF6000  }
0x95: {  	[hbm4b:s13+s2] =	stream.linear.scatter [tilespmem:s29], [sflag:$0x4], $0xA000, $0x38;
	[tilespmem:$0x14500] =	vst v63  }
0x96: {  	_ =	swait.ge [sflag:s12], $0xA000  }
0x97: {  	[sflag:s12] =	ssyncset.done $0x0  }
0x98: {  	[sflag:s12] =	ssyncadd.s32 $0xFFFF6000  }
0x99: {  	_ =	swait.ge [sflag:s15], $0x280  }
0x9a: {  	[sflag:s15] =	ssyncset.done $0x0  }
0x9b: {  	[sflag:s15] =	ssyncadd.s32 $0xFFFFFD80  }
0x9c: {  	[tilespmem:s17], [sflag:$0x1] =	stream.indirect.gather [hbm4b:s3+s16], $0x40, s2, s16, $0xb8;
	[tilespmem:$0x14500] =	vst v63  }
0x9d: {  	s14 =	simm.s32 $0x2500  }
0x9e: {  	[tilespmem:s14], [sflag:$0x1] =	stream.indirect.gather [hbm4b:s3+s16], $0x40, s16, s16, $0xb8;
	[tilespmem:$0x14500] =	vst v63  }
0x9f: {  	_ = 	snop  }
0xa0: {  	[tilespmem:s21], [sflag:$0x1] =	stream.indirect.gather [hbm4b:s3+s16], $0x40, s20, s16, $0xb8;
	[tilespmem:$0x14500] =	vst v63  }
0xa1: {  	_ = 	snop  }
0xa2: {  	[tilespmem:s23], [sflag:$0x1] =	stream.indirect.gather [hbm4b:s3+s16], $0x40, s22, s16, $0xb8;
	[tilespmem:$0x14500] =	vst v63  }
0xa3: {  	_ = 	snop  }
0xa4: {  	[tilespmem:s30], [sflag:$0x1] =	stream.indirect.gather [hbm4b:s3+s16], $0x40, s24, s16, $0xb8;
	[tilespmem:$0x14500] =	vst v63  }
0xa5: {  	s18 =	rddreg [dreg:$0xd]  }
0xa6: {  	[tilespmem:s25], [sflag:$0x6] =	stream.linear.gather [hbm4b:s18+s2], $0x280, $0x38;
	[tilespmem:$0x14500] =	vst v63  }
0xa7: {  	_ =	swait.ge [sflag:s26], $0xA000  }
0xa8: {  	[sflag:s26] =	ssyncset.done $0x0  }
0xa9: {  	s11 =	rddreg [dreg:$0xe];
	[sflag:s26] =	ssyncadd.s32 $0xFFFF6000  }
0xaa: {  	[hbm4b:s11+s2] =	stream.linear.scatter [tilespmem:s17], [sflag:$0x3], $0xA000, $0x38;
	[tilespmem:$0x14500] =	vst v63  }
0xab: {  	_ =	swait.ge [sflag:s8], $0xA000  }
0xac: {  	[sflag:s8] =	ssyncset.done $0x0  }
0xad: {  	[sflag:s8] =	ssyncadd.s32 $0xFFFF6000  }
0xae: {  	_ =	swait.ge [sflag:s28], $0x280  }
0xaf: {  	[sflag:s28] =	ssyncset.done $0x0  }
0xb0: {  	[sflag:s28] =	ssyncadd.s32 $0xFFFFFD80  }
0xb1: {  	[tilespmem:s29], [sflag:$0x2] =	stream.indirect.gather [hbm4b:s3+s16], $0x40, s25, s16, $0xb8;
	[tilespmem:$0x14500] =	vst v63  }
0xb2: {  	_ = 	snop  }
0xb3: {  	[tilespmem:s0], [sflag:$0x2] =	stream.indirect.gather [hbm4b:s3+s16], $0x40, s31, s16, $0xb8;
	[tilespmem:$0x14500] =	vst v63  }
0xb4: {  	_ = 	snop  }
0xb5: {  	[tilespmem:s5], [sflag:$0x2] =	stream.indirect.gather [hbm4b:s3+s16], $0x40, s1, s16, $0xb8;
	[tilespmem:$0x14500] =	vst v63  }
0xb6: {  	_ = 	snop  }
0xb7: {  	[tilespmem:s7], [sflag:$0x2] =	stream.indirect.gather [hbm4b:s3+s16], $0x40, s6, s16, $0xb8;
	[tilespmem:$0x14500] =	vst v63  }
0xb8: {  	_ = 	snop  }
0xb9: {  	[tilespmem:s19], [sflag:$0x2] =	stream.indirect.gather [hbm4b:s3+s16], $0x40, s9, s16, $0xb8;
	[tilespmem:$0x14500] =	vst v63  }
0xba: {  	_ = 	snop  }
0xbb: {  	[tilespmem:s2], [sflag:$0x5] =	stream.linear.gather [hbm4b:s18+s2], $0x280, $0x38;
	[tilespmem:$0x14500] =	vst v63  }
0xbc: {  	_ =	swait.ge [sflag:s10], $0xA000  }
0xbd: {  	[sflag:s10] =	ssyncset.done $0x0  }
0xbe: {  	s24 =	rddreg [dreg:$0x7];
	[sflag:s10] =	ssyncadd.s32 $0xFFFF6000  }
0xbf: {  	[hbm4b:s24+s2] =	stream.linear.scatter [tilespmem:s29], [sflag:$0x4], $0xA000, $0x38;
	[tilespmem:$0x14500] =	vst v63  }
0xc0: {  	_ =	swait.ge [sflag:s15], $0x280  }
0xc1: {  	[sflag:s15] =	ssyncset.done $0x0  }
0xc2: {  	[sflag:s15] =	ssyncadd.s32 $0xFFFFFD80  }
0xc3: {  	_ =	swait.ge [sflag:s12], $0xA000  }
0xc4: {  	[sflag:s12] =	ssyncset.done $0x0  }
0xc5: {  	[sflag:s12] =	ssyncadd.s32 $0xFFFF6000  }
0xc6: {  	_ =	swait.ge [sflag:s8], $0xA000  }
0xc7: {  	s30 =	rddreg [dreg:$0x11]  }
0xc8: {  	s31 =	rddreg [dreg:$0x8];
	s0 =	sadd.s32 $0x1, s30  }
0xc9: {  	p0 =	sne.s32 s0, s31  }
.Ltmp1:
0xca: {  	_ = 	snop;
	(pc) =	sbr.rel @p0 .LBB2_1-.Ltmp1, $3  }
0xcb: {  	_ =	sdelay $0x1  }
0xcc: {  	[sflag:s8] =	ssyncset.done $0x0  }
0xcd: {  	[sflag:s8] =	ssyncadd.s32 $0xFFFF6000  }
0xce: {  	_ =	sfence.sel $0x180000  }
0xcf: {  	[bflag:$0x0] =	sbarrier.arrive $0xFFFF  }
0xd0: {  	_ =	strace $0x90000047  }
0xd1: {  	s0 =	stileid.u32;
	[bflag:$0x2] =	sbarrier.arrive $0xFFFF  }
0xd2: {  	p0 =	sne.s32 s0, $0x0;
	s0 =	rddreg [dreg:$0x3]  }
0xd3: {  	s0 =	sadd.s32 @!p0 $0x100000, s0  }
0xd4: {  	[sflag:s0] =	ssyncadd.tile.s32 @!p0 $0x1;
	_ =	shalt  }
.Lfunc_end2:
_tile_overlayer_lowered:
.L_overlay_start_2:
0xd5: {  	(tag) =	ssettag $0x2  }
0xd6: {  	s0 =	rddreg [dreg:$0x0];
	s2 =	stileid.u32  }
0xd7: {  	s1 =	rddreg [dreg:$0x1];
	p0 =	sne.s32 s2, $0x0  }
0xd8: {  	s3 =	rddreg [dreg:$0x2];
	[bflag:$0x3] =	sbarrier.arrive $0xFFFF;
	s2 =	simm.s32 @!p0 $0x1C07  }
0xd9: {  	[timem:s3], [sflag:s2] =	dma.local @!p0 [hbm:s0], s1  }
0xda: {  	s0 =	simm.s32 @!p0 $0x7  }
0xdb: {  	_ =	swait.ge @!p0 [sflag:s0], s1  }
0xdc: {  	s1 =	ssub.s32 @!p0 $0x0, s1;
	[sflag:s0] =	ssyncset.done @!p0 $0x0  }
0xdd: {  	[sflag:s0] =	ssyncadd.s32 @!p0 s1  }
0xde: {  	[bflag:$0x3] =	sbarrier.arrive $0xFFFF  }
0xdf: {  	_ =	shalt  }

// kernel: sparse-core-data-format-call.cloned.1.call-start
scs
called_computation_lowered:
.L_overlay_start_0:
0x0: {  	s2 =	sld [smem:$0x3FD9]  }
0x1: {  	s3 =	sld [smem:$0x3FFE];
	_ =	sdelay $0x1  }
0x2: {  	s1 =	srdreg.scid  }
0x3: {  	s0 =	sand.u32 $0x1, s1  }
0x4: {  	s18 =	sshll.u32 s0, $0xA;
	s2 =	sadd.s32 s3, s2  }
0x5: {  	s2 =	sadd.s32 s2, s18  }
0x6: {  	[smem:$0x3FC6] =	sst s2  }
0x7: {  	_ = 	snop  }
0x8: {  	s2 =	sld [smem:$0x3FD0];
	(tm) =	ssettm $0x1  }
0x9: {  	s19 =	sld [smem:$0x3FFB];
	_ =	sdelay $0x3  }
0xa: {  	_ =	strace s19  }
0xb: {  	s3 =	sld [smem:$0x3FFC];
	_ =	sdelay $0x3  }
0xc: {  	_ =	strace s3  }
0xd: {  	s3 =	sld [smem:$0x3FFD];
	_ =	sdelay $0x3  }
0xe: {  	_ =	strace s3  }
0xf: {  	_ =	strace $0x8FFFFFFF  }
0x10: {  	s20 =	sld [smem:$0x3FDB];
	_ =	sdelay $0x1  }
0x11: {  	s4 =	simm.s32 $_scs_section_size  }
0x12: {  	s5 =	simm.s32 $_size__tile_overlayer_lowered;
	s6 =	simm.s32 $_tile_overlayer_lowered  }
0x13: {  	s23 =	simm.s32 $0x1BFF;
	s22 =	sshll.u32 s6, $0x1;
	s3 =	sadd.s32 s4, s20  }
0x14: {  	s7 =	simm.s32 $0x0;
	s21 =	sshll.u32 s5, $0x1;
	s5 =	sadd.s32 s22, s3  }
0x15: {  	[timem:s7], [sflag:s23] =	dma.local [hbm:s5], s21  }
0x16: {  	_ =	swait.ge [sflag:s23], s21  }
0x17: {  	s4 =	ssub.s32 $0x0, s21;
	[sflag:s23] =	ssyncset.done $0x0  }
0x18: {  	[sflag:s23] =	ssyncadd.s32 s4;
	_ =	sdelay $0x1  }
0x19: {  	s24 =	simm.s32 $0x1B8B  }
0x1a: {  	_ =	swait.ge [sflag:s24], $0x1  }
0x1b: {  	[sflag:s24] =	ssyncset.done $0x0  }
0x1c: {  	s26 =	simm.s32 $0x1B8E;
	s25 =	sld [smem:$0x3FFE];
	[sflag:s24] =	ssyncadd.s32 $0xFFFFFFFF  }
0x1d: {  	s27 =	simm.s32 $execute0_lowered;
	[smem:$0x3FD2] =	sst s26  }
0x1e: {  	s5 =	sshll.u32 s27, $0x1;
	_ =	strace $0x80000049;
	[dreg:$0x1] =	wrdreg $0xFFFFFFFF  }
0x1f: {  	s28 =	simm.s32 $_size_execute0_lowered;
	s3 =	sadd.s32 s3, s5;
	[dreg:$0x0] =	wrdreg $0x0  }
0x20: {  	s5 =	sshll.u32 s28, $0x1;
	[dreg:$0x2] =	wrdreg s3  }
0x21: {  	[dreg:$0x3] =	wrdreg s5  }
0x22: {  	[dreg:$0x4] =	wrdreg $0xC0  }
0x23: {  	_ =	task [dreg:s7], $0x5FFFF  }
0x24: {  	[dreg:$0x1] =	wrdreg $0xFFFFFFFF  }
0x25: {  	[dreg:$0x0] =	wrdreg $0x60  }
0x26: {  	[dreg:$0x2] =	wrdreg s25  }
0x27: {  	[dreg:$0x3] =	wrdreg s2  }
0x28: {  	[dreg:$0x4] =	wrdreg $0x9  }
0x29: {  	_ =	task.clear_ibuf [dreg:s7], $0x5FFFF;
	_ =	strace $0x90000049  }
0x2a: {  	s29 =	simm.s32 $0x9;
	_ =	strace $0x8000004B  }
0x2b: {  	_ =	swait.ge [sflag:s29], $0x1  }
0x2c: {  	[sflag:s29] =	ssyncadd.s32 $0xFFFFFFFF  }
0x2d: {  	_ =	strace $0x9000004B  }
0x2e: {  	_ =	sfence  }
0x2f: {  	s30 =	sld [smem:$0x0];
	_ =	sdelay $0x2  }
0x30: {  	s31 =	sshll.u32 s1, $0xD;
	s1 =	sshrl.u32 s1, $0x2  }
0x31: {  	s3 =	sand.u32 $0x4000, s31;
	s1 =	sadd.s32 s1, s30  }
0x32: {  	s0 =	sor.u32 s3, s0;
	s1 =	sshll.u32 s1, $0x11  }
0x33: {  	s0 =	sor.u32 s1, s0  }
0x34: {  	s0 =	sadd.s32 $0x8F2B, s0  }
0x35: {  	[sflag:s0] =	ssyncadd.remote.s32 $0x1  }
0x36: {  	_ =	sfence.sel $0xFFFF  }
0x37: {  	[dreg:$0x0] =	wrdreg $0xFFFFFFFF;
	(pc) =	sbr.abs _section_cstart, $3  }
0x38: {  	[dreg:$0x1] =	wrdreg $0xFFFFFFFF  }
0x39: {  	_ =	task.clear_ibuf [dreg:s7], $0x2FFFF;
	_ =	strace $0x9FFFFFFF  }
0x3a: {  	(tm) =	ssettm $0x7FFFFFFF  }
0x3b: {  	_ =	shalt  }
tec
execute0_lowered:
.L_overlay_start_1:
0x0: {  	(tag) =	ssettag $0x1  }
0x1: {  	s0 =	srdreg.scid  }
0x2: {  	s1 =	sshll.u32 s0, $0x4  }
0x3: {  	s4 =	rddreg [dreg:$0x0];
	s0 =	stileid.u32;
	s1 =	sand.u32 $0x10, s1  }
0x4: {  	s2 =	rddreg [dreg:$0x1];
	s7 =	simm.s32 $0x1;
	s1 =	sor.u32 s0, s1  }
0x5: {  	s8 =	simm.s32 $0x2;
	s11 =	simm.s32 $0x0;
	s3 =	sshll.u32 s1, $0x7  }
0x6: {  	s10 =	simm.s32 $0x0;
	s4 =	sadd.s32 $0x800, s4;
	s6 =	ssub.s32 $0xC8000, s3  }
.Ltmp0:
0x7: {  	s1 =	rddreg [dreg:$0x2];
	s5 =	sand.u32 $0xF80, s6;
	(pc) =	sbr.rel .LBB1_1-.Ltmp0, $4  }
0x8: {  	_ =	strace $0x8000004A;
	s9 =	smov.u32 s3;
	p0 =	sne.s32 s5, $0x0  }
0x9: {  	s6 =	sshrl.u32 s6, $0xC;
	s5 =	simm.s32 $0x1;
	s7 =	simm.s32 @!p0 $0x0  }
0xa: {  	[sflag:s5] =	ssyncpa.u1 $0x0;
	p0 =	por $0x0, $0x0;
	s6 =	sadd.s32 s7, s6  }
0xb: {  	[sflag:s8] =	ssyncpa.u1 $0x0;
	s8 =	simm.s32 $0x640000;
	s7 =	sadd.s32 $0x1, s6  }
.LBB1_4:
0xc: {  	s14 =	sshll.u32 s11, $0x3  }
0xd: {  	s30 =	sand.u32 $0x7F, s11;
	s15 =	sand.u32 $0xFFFFFC00, s14  }
0xe: {  	s11 =	sor.u32 s30, s15  }
0xf: {  	s15 =	smulhi.u32 $0x51EB851F, s11  }
0x10: {  	s14 =	smulhi.u32 $0x51EB851F, s14  }
0x11: {  	s15 =	sshrl.u32 s15, $0x12  }
0x12: {  	s14 =	sshrl.u32 s14, $0x12;
	s15 =	smul.u32 $0xC8000, s15  }
0x13: {  	s14 =	sand.u32 $0x3F, s14  }
0x14: {  	s14 =	smul.u32 $0x19000, s14;
	s11 =	ssub.s32 s11, s15  }
0x15: {  	[tilespmem:s13+$0x810 ss:$0x81] =	vst.msk $0xffff, v2;
	s15 =	sand.u32 $0x7, s11  }
0x16: {  	[tilespmem:s13+$0x1020 ss:$0x81] =	vst.msk $0xffff, v0;
	s14 =	sadd.s32 s2, s14;
	s11 =	sshrl.u32 s11, $0x3;
	s15 =	sshll.u32 s15, $0x12  }
0x17: {  	[tilespmem:s13+$0x0 ss:$0x81] =	vst.msk $0xffff, v1;
	s11 =	sadd.s32 s11, s14;
	s31 =	sor.u32 $0x400, s15  }
0x18: {  	[hbm4b:s11+s31] =	stream.strided.scatter [tilespmem:s12], [sflag:$0x2], $0x2000, s8, s31, $0x20;
	[tilespmem:$0x8080] =	vst v63  }
.LBB1_5:
0x19: {  	s13 =	sadd.s32 $0x1000, s9  }
0x1a: {  	p2 =	sgt.s32 s13, $0xC7FFF  }
0x1b: {  	s13 =	smov.u32 @p2 s3;
	p2 =	sne.s32 s10, s7  }
.Ltmp1:
0x1c: {  	p1 =	slt.u32 s10, $0x2;
	(pc) =	sbr.rel @!p2 .LBB1_6-.Ltmp1, $4  }
0x1d: {  	s12 =	simm.s32 @!p1 $0x2  }
0x1e: {  	s14 =	sadd.s32 $0x1, s10;
	_ =	swait.ge @!p1 [sflag:s12], $0x2000  }
0x1f: {  	s11 =	smov.u32 s9;
	p0 =	por !p0, !p0;
	[sflag:s12] =	ssyncset.done @!p1 $0x0  }
0x20: {  	s10 =	smov.u32 s14;
	s9 =	smov.u32 s13;
	[sflag:s12] =	ssyncadd.s32 @!p1 $0xFFFFE000  }
.LBB1_1:
0x21: {  	p1 =	sge.u32 s10, s6  }
0x22: {  	s12 =	sand.u32 @!p1 $0x1FFFFFF, s9  }
0x23: {  	s13 =	smulhi.u32 @!p1 $0x147AE15, s12;
	_ =	sdelay $0x1  }
0x24: {  	s13 =	sshrl.u32 @!p1 s13, $0xC  }
0x25: {  	s13 =	smul.u32 @!p1 $0xC8000, s13;
	_ =	sdelay $0x1  }
0x26: {  	s31 =	sadd.s32 $0xFFFFFFFF, s10;
	s14 =	sxor.u32 @!p1 $0xFFFFFFFF, s10;
	s12 =	ssub.s32 @!p1 s12, s13  }
0x27: {  	s15 =	simm.s32 @!p1 $0x80;
	s14 =	sshll.u32 @!p1 s14, $0xD;
	s12 =	sshll.u32 @!p1 s12, $0x4  }
0x28: {  	s13 =	sand.u32 @!p1 $0x2000, s14;
	s14 =	simm.s32 @!p1 $0x40;
	s12 =	sadd.s32 @!p1 s4, s12  }
0x29: {  	[tilespmem:s13], [sflag:$0x1] =	stream.strided.gather @!p1 [hbm4b:s12+s14], $0x2000, s15, s14, $0x38;
	[tilespmem:$0x8080] =	vst v63  }
0x2a: {  	p1 =	sge.u32 s31, s6  }
.Ltmp2:
0x2b: {  	_ = 	snop;
	(pc) =	sbr.rel @p1 .LBB1_5-.Ltmp2, $1  }
0x2c: {  	_ =	sdelay $0x3  }
0x2d: {  	s12 =	simm.s32 $0x1  }
0x2e: {  	_ =	swait.ge [sflag:s5], $0x2000;
	s12 =	simm.s32 @!p0 $0x0  }
0x2f: {  	[sflag:s5] =	ssyncset.done $0x0;
	s13 =	sshll.u32 s12, $0xD  }
0x30: {  	[sflag:s5] =	ssyncadd.s32 $0xFFFFE000;
	s16 =	sor.u32 $0x20, s13  }
0x31: {  	s12 =	smul.u32 $0x8100, s12;
	v3 =	vld [tilespmem:s16+$0x10]  }
0x32: {  	s30 =	sand.u32 $0x1, s10;
	v2 =	vld [tilespmem:s16+$0xFFFFFFF0]  }
0x33: {  	s13 =	smul.u32 $0x8100, s30;
	s12 =	sshrl.u32 s12, $0x2;
	v0 =	vld [tilespmem:s16+$0x0]  }
0x34: {  	v1 =	vld [tilespmem:s16+$0xFFFFFFE0];
	s14 =	sor.u32 $0x4000, s12  }
0x35: {  	s31 =	sshrl.u32 s13, $0x2;
	s13 =	sadd.s32 $0x0, s14  }
0x36: {  	s15 =	simm.s32 $0x4;
	s16 =	sadd.s32 $0x40, s16;
	s12 =	sor.u32 $0x4000, s31;
	[tilespmem:s13+$0x1830 ss:$0x81] =	vst.msk $0xffff, v3  }
.LBB1_3:
0x37: {  	v3 =	vld [tilespmem:s16+$0x10];
	p1 =	sne.s32 s15, $0x1FC;
	[tilespmem:s13+$0x810 ss:$0x81] =	vst.msk $0xffff, v2;
	s17 =	smov.u32 s15;
	s15 =	sadd.s32 $0x4, s15  }
.Ltmp3:
0x38: {  	v2 =	vld [tilespmem:s16+$0xFFFFFFF0];
	[tilespmem:s13+$0x1020 ss:$0x81] =	vst.msk $0xffff, v0;
	(pc) =	sbr.rel @p1 .LBB1_3-.Ltmp3, $4  }
0x39: {  	v0 =	vld [tilespmem:s16+$0x0];
	[tilespmem:s13+$0x0 ss:$0x81] =	vst.msk $0xffff, v1  }
0x3a: {  	s13 =	sshra.s32 s17, $0x2;
	v1 =	vld [tilespmem:s16+$0xFFFFFFE0]  }
0x3b: {  	s13 =	sadd.s32 s13, s14  }
0x3c: {  	s16 =	sadd.s32 $0x40, s16;
	[tilespmem:s13+$0x1830 ss:$0x81] =	vst.msk $0xffff, v3  }
.Ltmp4:
0x3d: {  	_ = 	snop;
	(pc) =	sbr.rel .LBB1_4-.Ltmp4, $1  }
0x3e: {  	_ =	sdelay $0x3  }
.LBB1_6:
0x3f: {  	_ =	sfence.sel $0x180000  }
0x40: {  	s2 =	simm.s32 $0x1;
	[bflag:$0x0] =	sbarrier.arrive $0xFFFF  }
0x41: {  	s31 =	simm.s32 $0x2;
	[sflag:s2] =	ssyncpa.u1 $0x1  }
0x42: {  	[sflag:s31] =	ssyncpa.u1 $0x1  }
0x43: {  	p0 =	sne.s32 s0, $0x0;
	_ =	strace $0x9000004A  }
0x44: {  	s0 =	sadd.s32 @!p0 $0x100000, s1;
	[bflag:$0x2] =	sbarrier.arrive $0xFFFF  }
0x45: {  	[sflag:s0] =	ssyncadd.tile.s32 @!p0 $0x1;
	_ =	shalt  }
.Lfunc_end1:
_tile_overlayer_lowered:
.L_overlay_start_2:
0x46: {  	(tag) =	ssettag $0x2  }
0x47: {  	s0 =	rddreg [dreg:$0x0];
	s2 =	stileid.u32  }
0x48: {  	s1 =	rddreg [dreg:$0x1];
	p0 =	sne.s32 s2, $0x0  }
0x49: {  	s3 =	rddreg [dreg:$0x2];
	[bflag:$0x3] =	sbarrier.arrive $0xFFFF;
	s2 =	simm.s32 @!p0 $0x1C01  }
0x4a: {  	[timem:s3], [sflag:s2] =	dma.local @!p0 [hbm:s0], s1  }
0x4b: {  	s0 =	simm.s32 @!p0 $0x1  }
0x4c: {  	_ =	swait.ge @!p0 [sflag:s0], s1  }
0x4d: {  	s1 =	ssub.s32 @!p0 $0x0, s1;
	[sflag:s0] =	ssyncset.done @!p0 $0x0  }
0x4e: {  	[sflag:s0] =	ssyncadd.s32 @!p0 s1  }
0x4f: {  	[bflag:$0x3] =	sbarrier.arrive $0xFFFF  }
0x50: {  	_ =	shalt  }

</sc_bundles>
